<compile_context>
chip_gen: v7x
topology: tpu7x:2x2x1
jax: 0.10.2.dev20260603
libtpu: 0.0.44.dev20260713+nightly
codegen_flags: <defaults>
</compile_context>

<pallas_src>
import functools

import jax
import jax.numpy as jnp
from jax import lax
from jax.experimental import pallas as pl
from jax.experimental.pallas import tpu as pltpu
from jax.experimental.pallas import tpu_sc as plsc

N = 10000
D = 128
DAUG = 144
NT = 10008
E = 320000
NC = 2
NS = 16
CHUNK = 128
PH = 51
CH_SLOW = 56
CH_FAST = 102
EPAD = NS * (CH_SLOW + CH_FAST) * CHUNK
NACC = 10240
ROWS_SUB = NACC // NS
WB = 128

BLK_A = 1112
BLK_C = 1000


def _proj_body(x_ref, wpt_ref, bp_ref, out_ref):
    r = pl.program_id(0)
    hv = jnp.dot(x_ref[...], wpt_ref[...], preferred_element_type=jnp.float32)
    hv = jnp.maximum(hv + bp_ref[...], 0.0)
    rows = r * BLK_A + lax.broadcasted_iota(jnp.int32, (BLK_A, 1), 0)
    hb = jnp.concatenate(
        [hv, jnp.ones((BLK_A, DAUG - D), jnp.float32)], axis=1)
    out_ref[...] = jnp.where(rows < N, hb, 0.0)


_proj = pl.pallas_call(
    _proj_body,
    grid=(NT // BLK_A,),
    in_specs=[
        pl.BlockSpec((BLK_A, D), lambda r: (r, 0)),
        pl.BlockSpec((D, D), lambda r: (0, 0)),
        pl.BlockSpec((1, D), lambda r: (0, 0)),
    ],
    out_specs=pl.BlockSpec((BLK_A, DAUG), lambda r: (r, 0)),
    out_shape=jax.ShapeDtypeStruct((NT, DAUG), jnp.float32),
)


def _sc_agg(src_hbm, dst_hbm, haug_hbm, out_hbm, src_v, dst_v, rows_v, acc,
            sem):
    c = lax.axis_index("c")
    s = lax.axis_index("s")

    def zero_body(i, carry):
        for j in range(DAUG // 16):
            rows_v[i, pl.ds(j * 16, 16)] = jnp.zeros((16,), jnp.float32)
        return carry

    lax.fori_loop(0, CHUNK, zero_body, 0)
    for z in range(ROWS_SUB // WB):
        base = s * ROWS_SUB + z * WB
        pltpu.sync_copy(rows_v, acc.at[pl.ds(base, WB)])
    plsc.subcore_barrier()

    def edge_body(j, carry):
        pltpu.async_copy(haug_hbm.at[src_v.at[j]], rows_v, sem).wait()
        pltpu.sync_copy(rows_v, acc.at[dst_v.at[j]], add=True)
        return carry

    ph2 = jnp.where(c == 1, CH_SLOW - PH, PH)
    for p in range(2):
        pltpu.sync_copy(src_hbm.at[c, s, p], src_v)
        pltpu.sync_copy(dst_hbm.at[c, s, p], dst_v)
        lax.fori_loop(0, PH if p == 0 else ph2, edge_body, 0)
    plsc.subcore_barrier()

    for z in range(ROWS_SUB // WB):
        base = s * ROWS_SUB + z * WB
        pltpu.sync_copy(acc.at[pl.ds(base, WB)], rows_v)
        pltpu.sync_copy(rows_v, out_hbm.at[c, pl.ds(base, WB)])


@functools.lru_cache(maxsize=1)
def _sc_agg_call():
    mesh = plsc.VectorSubcoreMesh(core_axis_name="c", subcore_axis_name="s",
                                  num_cores=NC, num_subcores=NS)
    return pl.kernel(
        _sc_agg,
        out_type=jax.ShapeDtypeStruct((NC, NACC, DAUG), jnp.float32),
        mesh=mesh,
        scratch_types=[
            pltpu.VMEM((PH, CHUNK), jnp.int32),
            pltpu.VMEM((PH, CHUNK), jnp.int32),
            pltpu.VMEM((CHUNK, DAUG), jnp.float32),
            pltpu.VMEM_SHARED((NACC, DAUG), jnp.float32),
            pltpu.SemaphoreType.DMA,
        ],
        compiler_params=pltpu.CompilerParams(use_tc_tiling_on_sc=False),
    )


def _post_body(acc_ref, haug_ref, wlt_ref, bl_ref, wrt_ref, g_ref, be_ref,
               wot_ref, bo_ref, y_ref, gsum):
    r = pl.program_id(0)
    a0 = acc_ref[0]
    a1 = acc_ref[1]
    summed = a0[:, :D] + a1[:, :D]
    cnt = a0[:, D:D + 1] + a1[:, D:D + 1]
    agg = summed * (1.0 / jnp.maximum(cnt, 1.0))
    h = haug_ref[:, :D]
    out = (jnp.dot(agg, wlt_ref[...], preferred_element_type=jnp.float32)
           + bl_ref[...]
           + jnp.dot(h, wrt_ref[...], preferred_element_type=jnp.float32))
    mu = jnp.mean(out, axis=1, keepdims=True)
    dlt = out - mu
    var = jnp.mean(dlt * dlt, axis=1, keepdims=True)
    hn = dlt * lax.rsqrt(var + 1e-5) * g_ref[...] + be_ref[...]
    hn = jnp.maximum(hn, 0.0)
    part = jnp.sum(hn, axis=0, keepdims=True)

    @pl.when(r == 0)
    def _():
        gsum[...] = part

    @pl.when(r > 0)
    def _():
        gsum[...] = gsum[...] + part

    @pl.when(r == pl.num_programs(0) - 1)
    def _():
        g = gsum[...] * (1.0 / N)
        y_ref[...] = (jnp.dot(g, wot_ref[...],
                              preferred_element_type=jnp.float32)
                      + bo_ref[...])


_post = pl.pallas_call(
    _post_body,
    grid=(N // BLK_C,),
    in_specs=[
        pl.BlockSpec((NC, BLK_C, DAUG), lambda r: (0, r, 0)),
        pl.BlockSpec((BLK_C, DAUG), lambda r: (r, 0)),
        pl.BlockSpec((D, D), lambda r: (0, 0)),
        pl.BlockSpec((1, D), lambda r: (0, 0)),
        pl.BlockSpec((D, D), lambda r: (0, 0)),
        pl.BlockSpec((1, D), lambda r: (0, 0)),
        pl.BlockSpec((1, D), lambda r: (0, 0)),
        pl.BlockSpec((D, D), lambda r: (0, 0)),
        pl.BlockSpec((1, D), lambda r: (0, 0)),
    ],
    out_specs=pl.BlockSpec((1, D), lambda r: (0, 0)),
    out_shape=jax.ShapeDtypeStruct((1, D), jnp.float32),
    scratch_shapes=[pltpu.VMEM((1, D), jnp.float32)],
)


def kernel(x, edge_index, W_proj, b_proj, W_l, b_l, W_r, gamma, beta, W_out,
           b_out):
    haug = _proj(x, W_proj.T, b_proj.reshape(1, D))
    pad = EPAD - E

    def split(v, fill):
        vp = jnp.concatenate([v, jnp.full((pad,), fill, jnp.int32)])
        n0 = NS * CH_FAST * CHUNK
        v0 = vp[:n0].reshape(NS, 2, PH, CHUNK)
        v1 = vp[n0:].reshape(NS, CH_SLOW * CHUNK)
        v1 = jnp.pad(v1, ((0, 0), (0, (2 * PH - CH_SLOW) * CHUNK)),
                     constant_values=fill).reshape(NS, 2, PH, CHUNK)
        return jnp.stack([v0, v1])

    srcp = split(edge_index[0], N)
    dstp = split(edge_index[1], 0)
    acc = _sc_agg_call()(srcp, dstp, haug)
    return _post(acc, haug, W_l.T, b_l.reshape(1, D), W_r.T,
                 gamma.reshape(1, D), beta.reshape(1, D), W_out.T,
                 b_out.reshape(1, D))

# --- scband reference (transcript-rebuilt; emitter-appended) ---
"""Pipeline reference for scband-lightweight-kgencoder-51153060495543 (READ-ONLY COPY).

The authoritative reference and input builder live on the scoring server;
editing this copy changes nothing except your own understanding.
"""

import jax, jax.numpy as jnp
import numpy as np

N = 10000
E = 320000
D_IN = 128
D_H = 128
D_OUT = 128


def setup_inputs(seed: int = 0) -> dict:
    key = jax.random.key(seed)
    ks = jax.random.split(key, 12)
    x = jax.random.normal(ks[0], (N, D_IN), dtype=jnp.float32)
    edge_index = jax.random.randint(ks[1], (2, E), 0, N, dtype=jnp.int32)
    s_in = 1.0 / np.sqrt(D_IN)
    s_h = 1.0 / np.sqrt(D_H)
    W_proj = jax.random.normal(ks[2], (D_H, D_IN), dtype=jnp.float32) * s_in
    b_proj = jax.random.normal(ks[3], (D_H,), dtype=jnp.float32) * s_in
    W_l = jax.random.normal(ks[4], (D_H, D_H), dtype=jnp.float32) * s_h
    b_l = jax.random.normal(ks[5], (D_H,), dtype=jnp.float32) * s_h
    W_r = jax.random.normal(ks[6], (D_H, D_H), dtype=jnp.float32) * s_h
    gamma = jnp.ones((D_H,), dtype=jnp.float32)
    beta = jnp.zeros((D_H,), dtype=jnp.float32)
    W_out = jax.random.normal(ks[7], (D_OUT, D_H), dtype=jnp.float32) * s_h
    b_out = jax.random.normal(ks[8], (D_OUT,), dtype=jnp.float32) * s_h
    return {"x": x, "edge_index": edge_index, "W_proj": W_proj, "b_proj": b_proj,
            "W_l": W_l, "b_l": b_l, "W_r": W_r, "gamma": gamma, "beta": beta,
            "W_out": W_out, "b_out": b_out}


def reference(x, edge_index, W_proj, b_proj, W_l, b_l, W_r, gamma, beta, W_out, b_out):
    # h = relu(proj(x))
    h = jax.nn.relu(x @ W_proj.T + b_proj)
    # SAGEConv with mean aggregation:
    #   out = lin_l(mean_{j in N(i)} h_j) + lin_r(h_i)
    src = edge_index[0]
    dst = edge_index[1]
    msg = jnp.take(h, src, axis=0)                                    # gather [E, D_H]
    summed = jax.ops.segment_sum(msg, dst, num_segments=N)            # scatter-add
    cnt = jax.ops.segment_sum(jnp.ones((E,), jnp.float32), dst, num_segments=N)
    agg = summed / jnp.clip(cnt, 1.0, None)[:, None]
    out = agg @ W_l.T + b_l + h @ W_r.T
    # LayerNorm (eps=1e-5)
    mu = jnp.mean(out, axis=-1, keepdims=True)
    var = jnp.mean((out - mu) ** 2, axis=-1, keepdims=True)
    hn = (out - mu) / jnp.sqrt(var + 1e-5) * gamma + beta
    hn = jax.nn.relu(hn)
    # dropout is identity in eval mode
    # batch=None -> global mean pool over all nodes
    g = jnp.mean(hn, axis=0, keepdims=True)                           # [1, D_H]
    return g @ W_out.T + b_out                                        # [1, D_OUT]

if __name__ == "__main__":
    import jax
    _d = setup_inputs()
    print(jax.jit(kernel)(*tuple(_d.values())))

</pallas_src>

<mosaic_0001>
#map = affine_map<(d0, d1) -> (0, 0, 0, 0, 0)>
#map1 = affine_map<(d0, d1) -> (0, 0)>
#map2 = affine_map<(d0, d1) -> (0, 0, 0)>
module attributes {stable_mosaic.version = 14 : i64} {
  func.func @_sc_agg(%arg0: i32, %arg1: i32, %arg2: memref<2x16x2x51x128xi32, #tpu.memory_space<hbm>>, %arg3: memref<2x16x2x51x128xi32, #tpu.memory_space<hbm>>, %arg4: memref<10008x144xf32, #tpu.memory_space<hbm>>, %arg5: memref<2x10240x144xf32, #tpu.memory_space<hbm>>, %arg6: memref<51x128xi32, #tpu.memory_space<vmem>>, %arg7: memref<51x128xi32, #tpu.memory_space<vmem>>, %arg8: memref<128x144xf32, #tpu.memory_space<vmem>>, %arg9: memref<10240x144xf32, #tpu.memory_space<vmem_shared>>, %arg10: memref<!tpu.dma_semaphore, #tpu.memory_space<semaphore_mem>>) attributes {dimension_semantics = [#tpu.dimension_semantics<core_parallel>, #tpu.dimension_semantics<subcore_parallel>], iteration_bounds = array<i64: 2, 16>, scalar_prefetch = 0 : i64, scratch_operands = 5 : i64, tpu.core_type = #tpu.core_type<sc_vector_subcore>, window_params = [{transform_indices = #map}, {transform_indices = #map}, {transform_indices = #map1}, {transform_indices = #map2}]} {
    %scan3A = arith.constant 0 : i32
    %scan3A_0 = arith.constant 0 : i32
    %scan3A_1 = arith.constant 128 : i32
    %scan3A_2 = arith.addi %scan3A_0, %scan3A_1 : i32
    %scan3A_3 = arith.constant 1 : i32
    scf.for %scan3A_64 = %scan3A_0 to %scan3A_2 step %scan3A_3  : i32 {
      %broadcast_in_dim3A = arith.constant 0.000000e+00 : f32
      %broadcast_in_dim3A_65 = vector.broadcast %broadcast_in_dim3A : f32 to vector<16xf32>
      %swap3A = arith.index_cast %scan3A_64 : i32 to index
      %swap3A_66 = arith.constant 0 : index
      %swap3A_67 = tpu.vector_load %arg8[%swap3A, %swap3A_66] {strides = array<i32>} : memref<128x144xf32, #tpu.memory_space<vmem>>, vector<1x16xf32>,
      %swap3A_68 = vector.shape_cast %swap3A_67 : vector<1x16xf32> to vector<16xf32>
      %swap3A_69 = vector.shape_cast %broadcast_in_dim3A_65 : vector<16xf32> to vector<1x16xf32>
      tpu.vector_store %arg8[%swap3A, %swap3A_66], %swap3A_69 {strides = array<i32>} : memref<128x144xf32, #tpu.memory_space<vmem>>, vector<1x16xf32>,
      %broadcast_in_dim3A_70 = arith.constant 0.000000e+00 : f32
      %broadcast_in_dim3A_71 = vector.broadcast %broadcast_in_dim3A_70 : f32 to vector<16xf32>
      %swap3A_72 = arith.index_cast %scan3A_64 : i32 to index
      %swap3A_73 = arith.constant 16 : index
      %swap3A_74 = tpu.vector_load %arg8[%swap3A_72, %swap3A_73] {strides = array<i32>} : memref<128x144xf32, #tpu.memory_space<vmem>>, vector<1x16xf32>,
      %swap3A_75 = vector.shape_cast %swap3A_74 : vector<1x16xf32> to vector<16xf32>
      %swap3A_76 = vector.shape_cast %broadcast_in_dim3A_71 : vector<16xf32> to vector<1x16xf32>
      tpu.vector_store %arg8[%swap3A_72, %swap3A_73], %swap3A_76 {strides = array<i32>} : memref<128x144xf32, #tpu.memory_space<vmem>>, vector<1x16xf32>,
      %broadcast_in_dim3A_77 = arith.constant 0.000000e+00 : f32
      %broadcast_in_dim3A_78 = vector.broadcast %broadcast_in_dim3A_77 : f32 to vector<16xf32>
      %swap3A_79 = arith.index_cast %scan3A_64 : i32 to index
      %swap3A_80 = arith.constant 32 : index
      %swap3A_81 = tpu.vector_load %arg8[%swap3A_79, %swap3A_80] {strides = array<i32>} : memref<128x144xf32, #tpu.memory_space<vmem>>, vector<1x16xf32>,
      %swap3A_82 = vector.shape_cast %swap3A_81 : vector<1x16xf32> to vector<16xf32>
      %swap3A_83 = vector.shape_cast %broadcast_in_dim3A_78 : vector<16xf32> to vector<1x16xf32>
      tpu.vector_store %arg8[%swap3A_79, %swap3A_80], %swap3A_83 {strides = array<i32>} : memref<128x144xf32, #tpu.memory_space<vmem>>, vector<1x16xf32>,
      %broadcast_in_dim3A_84 = arith.constant 0.000000e+00 : f32
      %broadcast_in_dim3A_85 = vector.broadcast %broadcast_in_dim3A_84 : f32 to vector<16xf32>
      %swap3A_86 = arith.index_cast %scan3A_64 : i32 to index
      %swap3A_87 = arith.constant 48 : index
      %swap3A_88 = tpu.vector_load %arg8[%swap3A_86, %swap3A_87] {strides = array<i32>} : memref<128x144xf32, #tpu.memory_space<vmem>>, vector<1x16xf32>,
      %swap3A_89 = vector.shape_cast %swap3A_88 : vector<1x16xf32> to vector<16xf32>
      %swap3A_90 = vector.shape_cast %broadcast_in_dim3A_85 : vector<16xf32> to vector<1x16xf32>
      tpu.vector_store %arg8[%swap3A_86, %swap3A_87], %swap3A_90 {strides = array<i32>} : memref<128x144xf32, #tpu.memory_space<vmem>>, vector<1x16xf32>,
      %broadcast_in_dim3A_91 = arith.constant 0.000000e+00 : f32
      %broadcast_in_dim3A_92 = vector.broadcast %broadcast_in_dim3A_91 : f32 to vector<16xf32>
      %swap3A_93 = arith.index_cast %scan3A_64 : i32 to index
      %swap3A_94 = arith.constant 64 : index
      %swap3A_95 = tpu.vector_load %arg8[%swap3A_93, %swap3A_94] {strides = array<i32>} : memref<128x144xf32, #tpu.memory_space<vmem>>, vector<1x16xf32>,
      %swap3A_96 = vector.shape_cast %swap3A_95 : vector<1x16xf32> to vector<16xf32>
      %swap3A_97 = vector.shape_cast %broadcast_in_dim3A_92 : vector<16xf32> to vector<1x16xf32>
      tpu.vector_store %arg8[%swap3A_93, %swap3A_94], %swap3A_97 {strides = array<i32>} : memref<128x144xf32, #tpu.memory_space<vmem>>, vector<1x16xf32>,
      %broadcast_in_dim3A_98 = arith.constant 0.000000e+00 : f32
      %broadcast_in_dim3A_99 = vector.broadcast %broadcast_in_dim3A_98 : f32 to vector<16xf32>
      %swap3A_100 = arith.index_cast %scan3A_64 : i32 to index
      %swap3A_101 = arith.constant 80 : index
      %swap3A_102 = tpu.vector_load %arg8[%swap3A_100, %swap3A_101] {strides = array<i32>} : memref<128x144xf32, #tpu.memory_space<vmem>>, vector<1x16xf32>,
      %swap3A_103 = vector.shape_cast %swap3A_102 : vector<1x16xf32> to vector<16xf32>
      %swap3A_104 = vector.shape_cast %broadcast_in_dim3A_99 : vector<16xf32> to vector<1x16xf32>
      tpu.vector_store %arg8[%swap3A_100, %swap3A_101], %swap3A_104 {strides = array<i32>} : memref<128x144xf32, #tpu.memory_space<vmem>>, vector<1x16xf32>,
      %broadcast_in_dim3A_105 = arith.constant 0.000000e+00 : f32
      %broadcast_in_dim3A_106 = vector.broadcast %broadcast_in_dim3A_105 : f32 to vector<16xf32>
      %swap3A_107 = arith.index_cast %scan3A_64 : i32 to index
      %swap3A_108 = arith.constant 96 : index
      %swap3A_109 = tpu.vector_load %arg8[%swap3A_107, %swap3A_108] {strides = array<i32>} : memref<128x144xf32, #tpu.memory_space<vmem>>, vector<1x16xf32>,
      %swap3A_110 = vector.shape_cast %swap3A_109 : vector<1x16xf32> to vector<16xf32>
      %swap3A_111 = vector.shape_cast %broadcast_in_dim3A_106 : vector<16xf32> to vector<1x16xf32>
      tpu.vector_store %arg8[%swap3A_107, %swap3A_108], %swap3A_111 {strides = array<i32>} : memref<128x144xf32, #tpu.memory_space<vmem>>, vector<1x16xf32>,
      %broadcast_in_dim3A_112 = arith.constant 0.000000e+00 : f32
      %broadcast_in_dim3A_113 = vector.broadcast %broadcast_in_dim3A_112 : f32 to vector<16xf32>
      %swap3A_114 = arith.index_cast %scan3A_64 : i32 to index
      %swap3A_115 = arith.constant 112 : index
      %swap3A_116 = tpu.vector_load %arg8[%swap3A_114, %swap3A_115] {strides = array<i32>} : memref<128x144xf32, #tpu.memory_space<vmem>>, vector<1x16xf32>,
      %swap3A_117 = vector.shape_cast %swap3A_116 : vector<1x16xf32> to vector<16xf32>
      %swap3A_118 = vector.shape_cast %broadcast_in_dim3A_113 : vector<16xf32> to vector<1x16xf32>
      tpu.vector_store %arg8[%swap3A_114, %swap3A_115], %swap3A_118 {strides = array<i32>} : memref<128x144xf32, #tpu.memory_space<vmem>>, vector<1x16xf32>,
      %broadcast_in_dim3A_119 = arith.constant 0.000000e+00 : f32
      %broadcast_in_dim3A_120 = vector.broadcast %broadcast_in_dim3A_119 : f32 to vector<16xf32>
      %swap3A_121 = arith.index_cast %scan3A_64 : i32 to index
      %swap3A_122 = arith.constant 128 : index
      %swap3A_123 = tpu.vector_load %arg8[%swap3A_121, %swap3A_122] {strides = array<i32>} : memref<128x144xf32, #tpu.memory_space<vmem>>, vector<1x16xf32>,
      %swap3A_124 = vector.shape_cast %swap3A_123 : vector<1x16xf32> to vector<16xf32>
      %swap3A_125 = vector.shape_cast %broadcast_in_dim3A_120 : vector<16xf32> to vector<1x16xf32>
      tpu.vector_store %arg8[%swap3A_121, %swap3A_122], %swap3A_125 {strides = array<i32>} : memref<128x144xf32, #tpu.memory_space<vmem>>, vector<1x16xf32>,
    }
    %scan3A_4 = arith.constant 128 : i32
    %mul3A = arith.constant 640 : i32
    %mul3A_5 = arith.muli %arg1, %mul3A : i32
    %add3A = arith.constant 0 : i32
    %add3A_6 = arith.addi %mul3A_5, %add3A : i32
    "tpu.region"() ({
      %run_scoped3A_64 = tpu.sem_alloc : memref<!tpu.dma_semaphore, #tpu.memory_space<semaphore_mem>>
      %dma_start3A = arith.constant 0 : i32
      %dma_start3A_65 = tpu.memref_slice %arg9[%add3A_6, %dma_start3A] : memref<10240x144xf32, #tpu.memory_space<vmem_shared>> -> memref<128x144xf32, #tpu.memory_space<vmem_shared>>
      %dma_start3A_66 = arith.constant 0 : i32
      %dma_start3A_67 = tpu.memref_slice %arg9[%add3A_6, %dma_start3A_66] : memref<10240x144xf32, #tpu.memory_space<vmem_shared>> -> memref<128x144xf32, #tpu.memory_space<vmem_shared>>
      tpu.enqueue_dma source(%arg8 : memref<128x144xf32, #tpu.memory_space<vmem>>) target(%dma_start3A_67 : memref<128x144xf32, #tpu.memory_space<vmem_shared>>) target_semaphore(%run_scoped3A_64 : memref<!tpu.dma_semaphore, #tpu.memory_space<semaphore_mem>>)
      %dma_wait3A = arith.constant 0 : i32
      %dma_wait3A_68 = tpu.memref_slice %arg9[%add3A_6, %dma_wait3A] : memref<10240x144xf32, #tpu.memory_space<vmem_shared>> -> memref<128x144xf32, #tpu.memory_space<vmem_shared>>
      %dma_wait3A_69 = arith.constant 0 : i32
      %dma_wait3A_70 = tpu.memref_slice %arg9[%add3A_6, %dma_wait3A_69] : memref<10240x144xf32, #tpu.memory_space<vmem_shared>> -> memref<128x144xf32, #tpu.memory_space<vmem_shared>>
      tpu.wait_dma2 semaphore(%run_scoped3A_64 : memref<!tpu.dma_semaphore, #tpu.memory_space<semaphore_mem>>) src(%arg8 : memref<128x144xf32, #tpu.memory_space<vmem>>) dst(%dma_wait3A_70 : memref<128x144xf32, #tpu.memory_space<vmem_shared>>)
      tpu.yield
    }) : () -> ()
    %mul3A_7 = arith.constant 640 : i32
    %mul3A_8 = arith.muli %arg1, %mul3A_7 : i32
    %add3A_9 = arith.constant 128 : i32
    %add3A_10 = arith.addi %mul3A_8, %add3A_9 : i32
    "tpu.region"() ({
      %run_scoped3A_64 = tpu.sem_alloc : memref<!tpu.dma_semaphore, #tpu.memory_space<semaphore_mem>>
      %dma_start3A = arith.constant 0 : i32
      %dma_start3A_65 = tpu.memref_slice %arg9[%add3A_10, %dma_start3A] : memref<10240x144xf32, #tpu.memory_space<vmem_shared>> -> memref<128x144xf32, #tpu.memory_space<vmem_shared>>
      %dma_start3A_66 = arith.constant 0 : i32
      %dma_start3A_67 = tpu.memref_slice %arg9[%add3A_10, %dma_start3A_66] : memref<10240x144xf32, #tpu.memory_space<vmem_shared>> -> memref<128x144xf32, #tpu.memory_space<vmem_shared>>
      tpu.enqueue_dma source(%arg8 : memref<128x144xf32, #tpu.memory_space<vmem>>) target(%dma_start3A_67 : memref<128x144xf32, #tpu.memory_space<vmem_shared>>) target_semaphore(%run_scoped3A_64 : memref<!tpu.dma_semaphore, #tpu.memory_space<semaphore_mem>>)
      %dma_wait3A = arith.constant 0 : i32
      %dma_wait3A_68 = tpu.memref_slice %arg9[%add3A_10, %dma_wait3A] : memref<10240x144xf32, #tpu.memory_space<vmem_shared>> -> memref<128x144xf32, #tpu.memory_space<vmem_shared>>
      %dma_wait3A_69 = arith.constant 0 : i32
      %dma_wait3A_70 = tpu.memref_slice %arg9[%add3A_10, %dma_wait3A_69] : memref<10240x144xf32, #tpu.memory_space<vmem_shared>> -> memref<128x144xf32, #tpu.memory_space<vmem_shared>>
      tpu.wait_dma2 semaphore(%run_scoped3A_64 : memref<!tpu.dma_semaphore, #tpu.memory_space<semaphore_mem>>) src(%arg8 : memref<128x144xf32, #tpu.memory_space<vmem>>) dst(%dma_wait3A_70 : memref<128x144xf32, #tpu.memory_space<vmem_shared>>)
      tpu.yield
    }) : () -> ()
    %mul3A_11 = arith.constant 640 : i32
    %mul3A_12 = arith.muli %arg1, %mul3A_11 : i32
    %add3A_13 = arith.constant 256 : i32
    %add3A_14 = arith.addi %mul3A_12, %add3A_13 : i32
    "tpu.region"() ({
      %run_scoped3A_64 = tpu.sem_alloc : memref<!tpu.dma_semaphore, #tpu.memory_space<semaphore_mem>>
      %dma_start3A = arith.constant 0 : i32
      %dma_start3A_65 = tpu.memref_slice %arg9[%add3A_14, %dma_start3A] : memref<10240x144xf32, #tpu.memory_space<vmem_shared>> -> memref<128x144xf32, #tpu.memory_space<vmem_shared>>
      %dma_start3A_66 = arith.constant 0 : i32
      %dma_start3A_67 = tpu.memref_slice %arg9[%add3A_14, %dma_start3A_66] : memref<10240x144xf32, #tpu.memory_space<vmem_shared>> -> memref<128x144xf32, #tpu.memory_space<vmem_shared>>
      tpu.enqueue_dma source(%arg8 : memref<128x144xf32, #tpu.memory_space<vmem>>) target(%dma_start3A_67 : memref<128x144xf32, #tpu.memory_space<vmem_shared>>) target_semaphore(%run_scoped3A_64 : memref<!tpu.dma_semaphore, #tpu.memory_space<semaphore_mem>>)
      %dma_wait3A = arith.constant 0 : i32
      %dma_wait3A_68 = tpu.memref_slice %arg9[%add3A_14, %dma_wait3A] : memref<10240x144xf32, #tpu.memory_space<vmem_shared>> -> memref<128x144xf32, #tpu.memory_space<vmem_shared>>
      %dma_wait3A_69 = arith.constant 0 : i32
      %dma_wait3A_70 = tpu.memref_slice %arg9[%add3A_14, %dma_wait3A_69] : memref<10240x144xf32, #tpu.memory_space<vmem_shared>> -> memref<128x144xf32, #tpu.memory_space<vmem_shared>>
      tpu.wait_dma2 semaphore(%run_scoped3A_64 : memref<!tpu.dma_semaphore, #tpu.memory_space<semaphore_mem>>) src(%arg8 : memref<128x144xf32, #tpu.memory_space<vmem>>) dst(%dma_wait3A_70 : memref<128x144xf32, #tpu.memory_space<vmem_shared>>)
      tpu.yield
    }) : () -> ()
    %mul3A_15 = arith.constant 640 : i32
    %mul3A_16 = arith.muli %arg1, %mul3A_15 : i32
    %add3A_17 = arith.constant 384 : i32
    %add3A_18 = arith.addi %mul3A_16, %add3A_17 : i32
    "tpu.region"() ({
      %run_scoped3A_64 = tpu.sem_alloc : memref<!tpu.dma_semaphore, #tpu.memory_space<semaphore_mem>>
      %dma_start3A = arith.constant 0 : i32
      %dma_start3A_65 = tpu.memref_slice %arg9[%add3A_18, %dma_start3A] : memref<10240x144xf32, #tpu.memory_space<vmem_shared>> -> memref<128x144xf32, #tpu.memory_space<vmem_shared>>
      %dma_start3A_66 = arith.constant 0 : i32
      %dma_start3A_67 = tpu.memref_slice %arg9[%add3A_18, %dma_start3A_66] : memref<10240x144xf32, #tpu.memory_space<vmem_shared>> -> memref<128x144xf32, #tpu.memory_space<vmem_shared>>
      tpu.enqueue_dma source(%arg8 : memref<128x144xf32, #tpu.memory_space<vmem>>) target(%dma_start3A_67 : memref<128x144xf32, #tpu.memory_space<vmem_shared>>) target_semaphore(%run_scoped3A_64 : memref<!tpu.dma_semaphore, #tpu.memory_space<semaphore_mem>>)
      %dma_wait3A = arith.constant 0 : i32
      %dma_wait3A_68 = tpu.memref_slice %arg9[%add3A_18, %dma_wait3A] : memref<10240x144xf32, #tpu.memory_space<vmem_shared>> -> memref<128x144xf32, #tpu.memory_space<vmem_shared>>
      %dma_wait3A_69 = arith.constant 0 : i32
      %dma_wait3A_70 = tpu.memref_slice %arg9[%add3A_18, %dma_wait3A_69] : memref<10240x144xf32, #tpu.memory_space<vmem_shared>> -> memref<128x144xf32, #tpu.memory_space<vmem_shared>>
      tpu.wait_dma2 semaphore(%run_scoped3A_64 : memref<!tpu.dma_semaphore, #tpu.memory_space<semaphore_mem>>) src(%arg8 : memref<128x144xf32, #tpu.memory_space<vmem>>) dst(%dma_wait3A_70 : memref<128x144xf32, #tpu.memory_space<vmem_shared>>)
      tpu.yield
    }) : () -> ()
    %mul3A_19 = arith.constant 640 : i32
    %mul3A_20 = arith.muli %arg1, %mul3A_19 : i32
    %add3A_21 = arith.constant 512 : i32
    %add3A_22 = arith.addi %mul3A_20, %add3A_21 : i32
    "tpu.region"() ({
      %run_scoped3A_64 = tpu.sem_alloc : memref<!tpu.dma_semaphore, #tpu.memory_space<semaphore_mem>>
      %dma_start3A = arith.constant 0 : i32
      %dma_start3A_65 = tpu.memref_slice %arg9[%add3A_22, %dma_start3A] : memref<10240x144xf32, #tpu.memory_space<vmem_shared>> -> memref<128x144xf32, #tpu.memory_space<vmem_shared>>
      %dma_start3A_66 = arith.constant 0 : i32
      %dma_start3A_67 = tpu.memref_slice %arg9[%add3A_22, %dma_start3A_66] : memref<10240x144xf32, #tpu.memory_space<vmem_shared>> -> memref<128x144xf32, #tpu.memory_space<vmem_shared>>
      tpu.enqueue_dma source(%arg8 : memref<128x144xf32, #tpu.memory_space<vmem>>) target(%dma_start3A_67 : memref<128x144xf32, #tpu.memory_space<vmem_shared>>) target_semaphore(%run_scoped3A_64 : memref<!tpu.dma_semaphore, #tpu.memory_space<semaphore_mem>>)
      %dma_wait3A = arith.constant 0 : i32
      %dma_wait3A_68 = tpu.memref_slice %arg9[%add3A_22, %dma_wait3A] : memref<10240x144xf32, #tpu.memory_space<vmem_shared>> -> memref<128x144xf32, #tpu.memory_space<vmem_shared>>
      %dma_wait3A_69 = arith.constant 0 : i32
      %dma_wait3A_70 = tpu.memref_slice %arg9[%add3A_22, %dma_wait3A_69] : memref<10240x144xf32, #tpu.memory_space<vmem_shared>> -> memref<128x144xf32, #tpu.memory_space<vmem_shared>>
      tpu.wait_dma2 semaphore(%run_scoped3A_64 : memref<!tpu.dma_semaphore, #tpu.memory_space<semaphore_mem>>) src(%arg8 : memref<128x144xf32, #tpu.memory_space<vmem>>) dst(%dma_wait3A_70 : memref<128x144xf32, #tpu.memory_space<vmem_shared>>)
      tpu.yield
    }) : () -> ()
    %barrier3A = arith.constant 0 : index
    tpu.barrier barrier_id(%barrier3A)
    %eq3A = arith.constant 1 : i32
    %eq3A_23 = arith.cmpi eq, %arg0, %eq3A : i32
    %jit3A = arith.constant 5 : i32
    %jit3A_24 = arith.constant 51 : i32
    %select_n3A = arith.select %eq3A_23, %jit3A, %jit3A_24 : i32
    %run_scoped3A = arith.constant 0 : i32
    "tpu.region"() ({
      %run_scoped3A_64 = tpu.sem_alloc : memref<!tpu.dma_semaphore, #tpu.memory_space<semaphore_mem>>
      %dma_start3A = arith.constant 0 : i32
      %dma_start3A_65 = arith.constant 0 : i32
      %dma_start3A_66 = tpu.memref_slice %arg2[%arg0, %arg1, %run_scoped3A, %dma_start3A, %dma_start3A_65] : memref<2x16x2x51x128xi32, #tpu.memory_space<hbm>> -> memref<1x1x1x51x128xi32, #tpu.memory_space<hbm>>
      %dma_start3A_67 = tpu.memref_squeeze %dma_start3A_66 : memref<1x1x1x51x128xi32, #tpu.memory_space<hbm>> -> memref<51x128xi32, #tpu.memory_space<hbm>>
      %dma_start3A_68 = arith.constant 0 : i32
      %dma_start3A_69 = arith.constant 0 : i32
      %dma_start3A_70 = tpu.memref_slice %arg2[%arg0, %arg1, %run_scoped3A, %dma_start3A_68, %dma_start3A_69] : memref<2x16x2x51x128xi32, #tpu.memory_space<hbm>> -> memref<1x1x1x51x128xi32, #tpu.memory_space<hbm>>
      %dma_start3A_71 = tpu.memref_squeeze %dma_start3A_70 : memref<1x1x1x51x128xi32, #tpu.memory_space<hbm>> -> memref<51x128xi32, #tpu.memory_space<hbm>>
      tpu.enqueue_dma source(%dma_start3A_71 : memref<51x128xi32, #tpu.memory_space<hbm>>) target(%arg6 : memref<51x128xi32, #tpu.memory_space<vmem>>) target_semaphore(%run_scoped3A_64 : memref<!tpu.dma_semaphore, #tpu.memory_space<semaphore_mem>>)
      %dma_wait3A = arith.constant 0 : i32
      %dma_wait3A_72 = arith.constant 0 : i32
      %dma_wait3A_73 = tpu.memref_slice %arg2[%arg0, %arg1, %run_scoped3A, %dma_wait3A, %dma_wait3A_72] : memref<2x16x2x51x128xi32, #tpu.memory_space<hbm>> -> memref<1x1x1x51x128xi32, #tpu.memory_space<hbm>>
      %dma_wait3A_74 = tpu.memref_squeeze %dma_wait3A_73 : memref<1x1x1x51x128xi32, #tpu.memory_space<hbm>> -> memref<51x128xi32, #tpu.memory_space<hbm>>
      %dma_wait3A_75 = arith.constant 0 : i32
      %dma_wait3A_76 = arith.constant 0 : i32
      %dma_wait3A_77 = tpu.memref_slice %arg2[%arg0, %arg1, %run_scoped3A, %dma_wait3A_75, %dma_wait3A_76] : memref<2x16x2x51x128xi32, #tpu.memory_space<hbm>> -> memref<1x1x1x51x128xi32, #tpu.memory_space<hbm>>
      %dma_wait3A_78 = tpu.memref_squeeze %dma_wait3A_77 : memref<1x1x1x51x128xi32, #tpu.memory_space<hbm>> -> memref<51x128xi32, #tpu.memory_space<hbm>>
      tpu.wait_dma2 semaphore(%run_scoped3A_64 : memref<!tpu.dma_semaphore, #tpu.memory_space<semaphore_mem>>) src(%dma_wait3A_78 : memref<51x128xi32, #tpu.memory_space<hbm>>) dst(%arg6 : memref<51x128xi32, #tpu.memory_space<vmem>>)
      tpu.yield
    }) : () -> ()
    %run_scoped3A_25 = arith.constant 0 : i32
    "tpu.region"() ({
      %run_scoped3A_64 = tpu.sem_alloc : memref<!tpu.dma_semaphore, #tpu.memory_space<semaphore_mem>>
      %dma_start3A = arith.constant 0 : i32
      %dma_start3A_65 = arith.constant 0 : i32
      %dma_start3A_66 = tpu.memref_slice %arg3[%arg0, %arg1, %run_scoped3A_25, %dma_start3A, %dma_start3A_65] : memref<2x16x2x51x128xi32, #tpu.memory_space<hbm>> -> memref<1x1x1x51x128xi32, #tpu.memory_space<hbm>>
      %dma_start3A_67 = tpu.memref_squeeze %dma_start3A_66 : memref<1x1x1x51x128xi32, #tpu.memory_space<hbm>> -> memref<51x128xi32, #tpu.memory_space<hbm>>
      %dma_start3A_68 = arith.constant 0 : i32
      %dma_start3A_69 = arith.constant 0 : i32
      %dma_start3A_70 = tpu.memref_slice %arg3[%arg0, %arg1, %run_scoped3A_25, %dma_start3A_68, %dma_start3A_69] : memref<2x16x2x51x128xi32, #tpu.memory_space<hbm>> -> memref<1x1x1x51x128xi32, #tpu.memory_space<hbm>>
      %dma_start3A_71 = tpu.memref_squeeze %dma_start3A_70 : memref<1x1x1x51x128xi32, #tpu.memory_space<hbm>> -> memref<51x128xi32, #tpu.memory_space<hbm>>
      tpu.enqueue_dma source(%dma_start3A_71 : memref<51x128xi32, #tpu.memory_space<hbm>>) target(%arg7 : memref<51x128xi32, #tpu.memory_space<vmem>>) target_semaphore(%run_scoped3A_64 : memref<!tpu.dma_semaphore, #tpu.memory_space<semaphore_mem>>)
      %dma_wait3A = arith.constant 0 : i32
      %dma_wait3A_72 = arith.constant 0 : i32
      %dma_wait3A_73 = tpu.memref_slice %arg3[%arg0, %arg1, %run_scoped3A_25, %dma_wait3A, %dma_wait3A_72] : memref<2x16x2x51x128xi32, #tpu.memory_space<hbm>> -> memref<1x1x1x51x128xi32, #tpu.memory_space<hbm>>
      %dma_wait3A_74 = tpu.memref_squeeze %dma_wait3A_73 : memref<1x1x1x51x128xi32, #tpu.memory_space<hbm>> -> memref<51x128xi32, #tpu.memory_space<hbm>>
      %dma_wait3A_75 = arith.constant 0 : i32
      %dma_wait3A_76 = arith.constant 0 : i32
      %dma_wait3A_77 = tpu.memref_slice %arg3[%arg0, %arg1, %run_scoped3A_25, %dma_wait3A_75, %dma_wait3A_76] : memref<2x16x2x51x128xi32, #tpu.memory_space<hbm>> -> memref<1x1x1x51x128xi32, #tpu.memory_space<hbm>>
      %dma_wait3A_78 = tpu.memref_squeeze %dma_wait3A_77 : memref<1x1x1x51x128xi32, #tpu.memory_space<hbm>> -> memref<51x128xi32, #tpu.memory_space<hbm>>
      tpu.wait_dma2 semaphore(%run_scoped3A_64 : memref<!tpu.dma_semaphore, #tpu.memory_space<semaphore_mem>>) src(%dma_wait3A_78 : memref<51x128xi32, #tpu.memory_space<hbm>>) dst(%arg7 : memref<51x128xi32, #tpu.memory_space<vmem>>)
      tpu.yield
    }) : () -> ()
    %scan3A_26 = arith.constant 0 : i32
    %scan3A_27 = arith.constant 0 : i32
    %scan3A_28 = arith.constant 51 : i32
    %scan3A_29 = arith.addi %scan3A_27, %scan3A_28 : i32
    %scan3A_30 = arith.constant 1 : i32
    scf.for %scan3A_64 = %scan3A_27 to %scan3A_29 step %scan3A_30  : i32 {
      %dma_start3A = arith.constant 0 : i32
      %dma_start3A_65 = tpu.memref_slice %arg6[%scan3A_64, %dma_start3A] : memref<51x128xi32, #tpu.memory_space<vmem>> -> memref<1x128xi32, #tpu.memory_space<vmem>>
      %dma_start3A_66 = tpu.memref_squeeze %dma_start3A_65 : memref<1x128xi32, #tpu.memory_space<vmem>> -> memref<128xi32, #tpu.memory_space<vmem>>
      %dma_start3A_67 = arith.constant 0 : i32
      %dma_start3A_68 = arith.constant 0 : i32
      %dma_start3A_69 = tpu.memref_slice %arg4[%dma_start3A_67, %dma_start3A_68] : memref<10008x144xf32, #tpu.memory_space<hbm>> -> memref<10008x144xf32, #tpu.memory_space<hbm>>
      tpu.enqueue_indirect_dma source(%dma_start3A_69 : memref<10008x144xf32, #tpu.memory_space<hbm>>) target(%arg8 : memref<128x144xf32, #tpu.memory_space<vmem>>) offsets(%dma_start3A_66 : memref<128xi32, #tpu.memory_space<vmem>>) semaphore(%arg10 : memref<!tpu.dma_semaphore, #tpu.memory_space<semaphore_mem>>)
      %dma_wait3A = arith.constant 0 : i32
      %dma_wait3A_70 = tpu.memref_slice %arg6[%scan3A_64, %dma_wait3A] : memref<51x128xi32, #tpu.memory_space<vmem>> -> memref<1x128xi32, #tpu.memory_space<vmem>>
      %dma_wait3A_71 = tpu.memref_squeeze %dma_wait3A_70 : memref<1x128xi32, #tpu.memory_space<vmem>> -> memref<128xi32, #tpu.memory_space<vmem>>
      %dma_wait3A_72 = arith.constant 0 : i32
      %dma_wait3A_73 = arith.constant 0 : i32
      %dma_wait3A_74 = tpu.memref_slice %arg4[%dma_wait3A_72, %dma_wait3A_73] : memref<10008x144xf32, #tpu.memory_space<hbm>> -> memref<10008x144xf32, #tpu.memory_space<hbm>>
      tpu.wait_indirect_dma semaphore(%arg10 : memref<!tpu.dma_semaphore, #tpu.memory_space<semaphore_mem>>) src(%dma_wait3A_74 : memref<10008x144xf32, #tpu.memory_space<hbm>>) dst(%arg8 : memref<128x144xf32, #tpu.memory_space<vmem>>)
      "tpu.region"() ({
        %run_scoped3A_75 = tpu.sem_alloc : memref<!tpu.dma_semaphore, #tpu.memory_space<semaphore_mem>>
        %dma_start3A_76 = arith.constant 0 : i32
        %dma_start3A_77 = tpu.memref_slice %arg7[%scan3A_64, %dma_start3A_76] : memref<51x128xi32, #tpu.memory_space<vmem>> -> memref<1x128xi32, #tpu.memory_space<vmem>>
        %dma_start3A_78 = tpu.memref_squeeze %dma_start3A_77 : memref<1x128xi32, #tpu.memory_space<vmem>> -> memref<128xi32, #tpu.memory_space<vmem>>
        %dma_start3A_79 = arith.constant 0 : i32
        %dma_start3A_80 = arith.constant 0 : i32
        %dma_start3A_81 = tpu.memref_slice %arg9[%dma_start3A_79, %dma_start3A_80] : memref<10240x144xf32, #tpu.memory_space<vmem_shared>> -> memref<10240x144xf32, #tpu.memory_space<vmem_shared>>
        tpu.enqueue_indirect_dma source(%arg8 : memref<128x144xf32, #tpu.memory_space<vmem>>) target(%dma_start3A_81 : memref<10240x144xf32, #tpu.memory_space<vmem_shared>>) offsets(%dma_start3A_78 : memref<128xi32, #tpu.memory_space<vmem>>) semaphore(%run_scoped3A_75 : memref<!tpu.dma_semaphore, #tpu.memory_space<semaphore_mem>>) {add = true}
        %dma_wait3A_82 = arith.constant 0 : i32
        %dma_wait3A_83 = tpu.memref_slice %arg7[%scan3A_64, %dma_wait3A_82] : memref<51x128xi32, #tpu.memory_space<vmem>> -> memref<1x128xi32, #tpu.memory_space<vmem>>
        %dma_wait3A_84 = tpu.memref_squeeze %dma_wait3A_83 : memref<1x128xi32, #tpu.memory_space<vmem>> -> memref<128xi32, #tpu.memory_space<vmem>>
        %dma_wait3A_85 = arith.constant 0 : i32
        %dma_wait3A_86 = arith.constant 0 : i32
        %dma_wait3A_87 = tpu.memref_slice %arg9[%dma_wait3A_85, %dma_wait3A_86] : memref<10240x144xf32, #tpu.memory_space<vmem_shared>> -> memref<10240x144xf32, #tpu.memory_space<vmem_shared>>
        tpu.wait_indirect_dma semaphore(%run_scoped3A_75 : memref<!tpu.dma_semaphore, #tpu.memory_space<semaphore_mem>>) src(%arg8 : memref<128x144xf32, #tpu.memory_space<vmem>>) dst(%dma_wait3A_87 : memref<10240x144xf32, #tpu.memory_space<vmem_shared>>)
        tpu.yield
      }) : () -> ()
    }
    %scan3A_31 = arith.constant 51 : i32
    %run_scoped3A_32 = arith.constant 1 : i32
    "tpu.region"() ({
      %run_scoped3A_64 = tpu.sem_alloc : memref<!tpu.dma_semaphore, #tpu.memory_space<semaphore_mem>>
      %dma_start3A = arith.constant 0 : i32
      %dma_start3A_65 = arith.constant 0 : i32
      %dma_start3A_66 = tpu.memref_slice %arg2[%arg0, %arg1, %run_scoped3A_32, %dma_start3A, %dma_start3A_65] : memref<2x16x2x51x128xi32, #tpu.memory_space<hbm>> -> memref<1x1x1x51x128xi32, #tpu.memory_space<hbm>>
      %dma_start3A_67 = tpu.memref_squeeze %dma_start3A_66 : memref<1x1x1x51x128xi32, #tpu.memory_space<hbm>> -> memref<51x128xi32, #tpu.memory_space<hbm>>
      %dma_start3A_68 = arith.constant 0 : i32
      %dma_start3A_69 = arith.constant 0 : i32
      %dma_start3A_70 = tpu.memref_slice %arg2[%arg0, %arg1, %run_scoped3A_32, %dma_start3A_68, %dma_start3A_69] : memref<2x16x2x51x128xi32, #tpu.memory_space<hbm>> -> memref<1x1x1x51x128xi32, #tpu.memory_space<hbm>>
      %dma_start3A_71 = tpu.memref_squeeze %dma_start3A_70 : memref<1x1x1x51x128xi32, #tpu.memory_space<hbm>> -> memref<51x128xi32, #tpu.memory_space<hbm>>
      tpu.enqueue_dma source(%dma_start3A_71 : memref<51x128xi32, #tpu.memory_space<hbm>>) target(%arg6 : memref<51x128xi32, #tpu.memory_space<vmem>>) target_semaphore(%run_scoped3A_64 : memref<!tpu.dma_semaphore, #tpu.memory_space<semaphore_mem>>)
      %dma_wait3A = arith.constant 0 : i32
      %dma_wait3A_72 = arith.constant 0 : i32
      %dma_wait3A_73 = tpu.memref_slice %arg2[%arg0, %arg1, %run_scoped3A_32, %dma_wait3A, %dma_wait3A_72] : memref<2x16x2x51x128xi32, #tpu.memory_space<hbm>> -> memref<1x1x1x51x128xi32, #tpu.memory_space<hbm>>
      %dma_wait3A_74 = tpu.memref_squeeze %dma_wait3A_73 : memref<1x1x1x51x128xi32, #tpu.memory_space<hbm>> -> memref<51x128xi32, #tpu.memory_space<hbm>>
      %dma_wait3A_75 = arith.constant 0 : i32
      %dma_wait3A_76 = arith.constant 0 : i32
      %dma_wait3A_77 = tpu.memref_slice %arg2[%arg0, %arg1, %run_scoped3A_32, %dma_wait3A_75, %dma_wait3A_76] : memref<2x16x2x51x128xi32, #tpu.memory_space<hbm>> -> memref<1x1x1x51x128xi32, #tpu.memory_space<hbm>>
      %dma_wait3A_78 = tpu.memref_squeeze %dma_wait3A_77 : memref<1x1x1x51x128xi32, #tpu.memory_space<hbm>> -> memref<51x128xi32, #tpu.memory_space<hbm>>
      tpu.wait_dma2 semaphore(%run_scoped3A_64 : memref<!tpu.dma_semaphore, #tpu.memory_space<semaphore_mem>>) src(%dma_wait3A_78 : memref<51x128xi32, #tpu.memory_space<hbm>>) dst(%arg6 : memref<51x128xi32, #tpu.memory_space<vmem>>)
      tpu.yield
    }) : () -> ()
    %run_scoped3A_33 = arith.constant 1 : i32
    "tpu.region"() ({
      %run_scoped3A_64 = tpu.sem_alloc : memref<!tpu.dma_semaphore, #tpu.memory_space<semaphore_mem>>
      %dma_start3A = arith.constant 0 : i32
      %dma_start3A_65 = arith.constant 0 : i32
      %dma_start3A_66 = tpu.memref_slice %arg3[%arg0, %arg1, %run_scoped3A_33, %dma_start3A, %dma_start3A_65] : memref<2x16x2x51x128xi32, #tpu.memory_space<hbm>> -> memref<1x1x1x51x128xi32, #tpu.memory_space<hbm>>
      %dma_start3A_67 = tpu.memref_squeeze %dma_start3A_66 : memref<1x1x1x51x128xi32, #tpu.memory_space<hbm>> -> memref<51x128xi32, #tpu.memory_space<hbm>>
      %dma_start3A_68 = arith.constant 0 : i32
      %dma_start3A_69 = arith.constant 0 : i32
      %dma_start3A_70 = tpu.memref_slice %arg3[%arg0, %arg1, %run_scoped3A_33, %dma_start3A_68, %dma_start3A_69] : memref<2x16x2x51x128xi32, #tpu.memory_space<hbm>> -> memref<1x1x1x51x128xi32, #tpu.memory_space<hbm>>
      %dma_start3A_71 = tpu.memref_squeeze %dma_start3A_70 : memref<1x1x1x51x128xi32, #tpu.memory_space<hbm>> -> memref<51x128xi32, #tpu.memory_space<hbm>>
      tpu.enqueue_dma source(%dma_start3A_71 : memref<51x128xi32, #tpu.memory_space<hbm>>) target(%arg7 : memref<51x128xi32, #tpu.memory_space<vmem>>) target_semaphore(%run_scoped3A_64 : memref<!tpu.dma_semaphore, #tpu.memory_space<semaphore_mem>>)
      %dma_wait3A = arith.constant 0 : i32
      %dma_wait3A_72 = arith.constant 0 : i32
      %dma_wait3A_73 = tpu.memref_slice %arg3[%arg0, %arg1, %run_scoped3A_33, %dma_wait3A, %dma_wait3A_72] : memref<2x16x2x51x128xi32, #tpu.memory_space<hbm>> -> memref<1x1x1x51x128xi32, #tpu.memory_space<hbm>>
      %dma_wait3A_74 = tpu.memref_squeeze %dma_wait3A_73 : memref<1x1x1x51x128xi32, #tpu.memory_space<hbm>> -> memref<51x128xi32, #tpu.memory_space<hbm>>
      %dma_wait3A_75 = arith.constant 0 : i32
      %dma_wait3A_76 = arith.constant 0 : i32
      %dma_wait3A_77 = tpu.memref_slice %arg3[%arg0, %arg1, %run_scoped3A_33, %dma_wait3A_75, %dma_wait3A_76] : memref<2x16x2x51x128xi32, #tpu.memory_space<hbm>> -> memref<1x1x1x51x128xi32, #tpu.memory_space<hbm>>
      %dma_wait3A_78 = tpu.memref_squeeze %dma_wait3A_77 : memref<1x1x1x51x128xi32, #tpu.memory_space<hbm>> -> memref<51x128xi32, #tpu.memory_space<hbm>>
      tpu.wait_dma2 semaphore(%run_scoped3A_64 : memref<!tpu.dma_semaphore, #tpu.memory_space<semaphore_mem>>) src(%dma_wait3A_78 : memref<51x128xi32, #tpu.memory_space<hbm>>) dst(%arg7 : memref<51x128xi32, #tpu.memory_space<vmem>>)
      tpu.yield
    }) : () -> ()
    %while3A = arith.constant 0 : i32
    %while3A_34 = arith.constant 0 : i32
    %while3A_35 = arith.subi %select_n3A, %while3A_34 : i32
    %while3A_36 = arith.addi %while3A_34, %while3A_35 : i32
    %while3A_37 = arith.constant 1 : i32
    %while3A_38 = arith.divsi %while3A_35, %while3A_37 : i32
    %while3A_39 = arith.muli %while3A_38, %while3A_37 : i32
    %while3A_40 = arith.addi %while3A_34, %while3A_39 : i32
    %while3A_41 = arith.constant 1 : i32
    scf.for %while3A_64 = %while3A_34 to %while3A_40 step %while3A_41  : i32 {
      %dma_start3A = arith.constant 0 : i32
      %dma_start3A_65 = tpu.memref_slice %arg6[%while3A_64, %dma_start3A] : memref<51x128xi32, #tpu.memory_space<vmem>> -> memref<1x128xi32, #tpu.memory_space<vmem>>
      %dma_start3A_66 = tpu.memref_squeeze %dma_start3A_65 : memref<1x128xi32, #tpu.memory_space<vmem>> -> memref<128xi32, #tpu.memory_space<vmem>>
      %dma_start3A_67 = arith.constant 0 : i32
      %dma_start3A_68 = arith.constant 0 : i32
      %dma_start3A_69 = tpu.memref_slice %arg4[%dma_start3A_67, %dma_start3A_68] : memref<10008x144xf32, #tpu.memory_space<hbm>> -> memref<10008x144xf32, #tpu.memory_space<hbm>>
      tpu.enqueue_indirect_dma source(%dma_start3A_69 : memref<10008x144xf32, #tpu.memory_space<hbm>>) target(%arg8 : memref<128x144xf32, #tpu.memory_space<vmem>>) offsets(%dma_start3A_66 : memref<128xi32, #tpu.memory_space<vmem>>) semaphore(%arg10 : memref<!tpu.dma_semaphore, #tpu.memory_space<semaphore_mem>>)
      %dma_wait3A = arith.constant 0 : i32
      %dma_wait3A_70 = tpu.memref_slice %arg6[%while3A_64, %dma_wait3A] : memref<51x128xi32, #tpu.memory_space<vmem>> -> memref<1x128xi32, #tpu.memory_space<vmem>>
      %dma_wait3A_71 = tpu.memref_squeeze %dma_wait3A_70 : memref<1x128xi32, #tpu.memory_space<vmem>> -> memref<128xi32, #tpu.memory_space<vmem>>
      %dma_wait3A_72 = arith.constant 0 : i32
      %dma_wait3A_73 = arith.constant 0 : i32
      %dma_wait3A_74 = tpu.memref_slice %arg4[%dma_wait3A_72, %dma_wait3A_73] : memref<10008x144xf32, #tpu.memory_space<hbm>> -> memref<10008x144xf32, #tpu.memory_space<hbm>>
      tpu.wait_indirect_dma semaphore(%arg10 : memref<!tpu.dma_semaphore, #tpu.memory_space<semaphore_mem>>) src(%dma_wait3A_74 : memref<10008x144xf32, #tpu.memory_space<hbm>>) dst(%arg8 : memref<128x144xf32, #tpu.memory_space<vmem>>)
      "tpu.region"() ({
        %run_scoped3A_75 = tpu.sem_alloc : memref<!tpu.dma_semaphore, #tpu.memory_space<semaphore_mem>>
        %dma_start3A_76 = arith.constant 0 : i32
        %dma_start3A_77 = tpu.memref_slice %arg7[%while3A_64, %dma_start3A_76] : memref<51x128xi32, #tpu.memory_space<vmem>> -> memref<1x128xi32, #tpu.memory_space<vmem>>
        %dma_start3A_78 = tpu.memref_squeeze %dma_start3A_77 : memref<1x128xi32, #tpu.memory_space<vmem>> -> memref<128xi32, #tpu.memory_space<vmem>>
        %dma_start3A_79 = arith.constant 0 : i32
        %dma_start3A_80 = arith.constant 0 : i32
        %dma_start3A_81 = tpu.memref_slice %arg9[%dma_start3A_79, %dma_start3A_80] : memref<10240x144xf32, #tpu.memory_space<vmem_shared>> -> memref<10240x144xf32, #tpu.memory_space<vmem_shared>>
        tpu.enqueue_indirect_dma source(%arg8 : memref<128x144xf32, #tpu.memory_space<vmem>>) target(%dma_start3A_81 : memref<10240x144xf32, #tpu.memory_space<vmem_shared>>) offsets(%dma_start3A_78 : memref<128xi32, #tpu.memory_space<vmem>>) semaphore(%run_scoped3A_75 : memref<!tpu.dma_semaphore, #tpu.memory_space<semaphore_mem>>) {add = true}
        %dma_wait3A_82 = arith.constant 0 : i32
        %dma_wait3A_83 = tpu.memref_slice %arg7[%while3A_64, %dma_wait3A_82] : memref<51x128xi32, #tpu.memory_space<vmem>> -> memref<1x128xi32, #tpu.memory_space<vmem>>
        %dma_wait3A_84 = tpu.memref_squeeze %dma_wait3A_83 : memref<1x128xi32, #tpu.memory_space<vmem>> -> memref<128xi32, #tpu.memory_space<vmem>>
        %dma_wait3A_85 = arith.constant 0 : i32
        %dma_wait3A_86 = arith.constant 0 : i32
        %dma_wait3A_87 = tpu.memref_slice %arg9[%dma_wait3A_85, %dma_wait3A_86] : memref<10240x144xf32, #tpu.memory_space<vmem_shared>> -> memref<10240x144xf32, #tpu.memory_space<vmem_shared>>
        tpu.wait_indirect_dma semaphore(%run_scoped3A_75 : memref<!tpu.dma_semaphore, #tpu.memory_space<semaphore_mem>>) src(%arg8 : memref<128x144xf32, #tpu.memory_space<vmem>>) dst(%dma_wait3A_87 : memref<10240x144xf32, #tpu.memory_space<vmem_shared>>)
        tpu.yield
      }) : () -> ()
    }
    %while3A_42 = arith.constant 1 : i32
    scf.for %while3A_64 = %while3A_40 to %while3A_36 step %while3A_42  : i32 {
      %dma_start3A = arith.constant 0 : i32
      %dma_start3A_65 = tpu.memref_slice %arg6[%while3A_64, %dma_start3A] : memref<51x128xi32, #tpu.memory_space<vmem>> -> memref<1x128xi32, #tpu.memory_space<vmem>>
      %dma_start3A_66 = tpu.memref_squeeze %dma_start3A_65 : memref<1x128xi32, #tpu.memory_space<vmem>> -> memref<128xi32, #tpu.memory_space<vmem>>
      %dma_start3A_67 = arith.constant 0 : i32
      %dma_start3A_68 = arith.constant 0 : i32
      %dma_start3A_69 = tpu.memref_slice %arg4[%dma_start3A_67, %dma_start3A_68] : memref<10008x144xf32, #tpu.memory_space<hbm>> -> memref<10008x144xf32, #tpu.memory_space<hbm>>
      tpu.enqueue_indirect_dma source(%dma_start3A_69 : memref<10008x144xf32, #tpu.memory_space<hbm>>) target(%arg8 : memref<128x144xf32, #tpu.memory_space<vmem>>) offsets(%dma_start3A_66 : memref<128xi32, #tpu.memory_space<vmem>>) semaphore(%arg10 : memref<!tpu.dma_semaphore, #tpu.memory_space<semaphore_mem>>)
      %dma_wait3A = arith.constant 0 : i32
      %dma_wait3A_70 = tpu.memref_slice %arg6[%while3A_64, %dma_wait3A] : memref<51x128xi32, #tpu.memory_space<vmem>> -> memref<1x128xi32, #tpu.memory_space<vmem>>
      %dma_wait3A_71 = tpu.memref_squeeze %dma_wait3A_70 : memref<1x128xi32, #tpu.memory_space<vmem>> -> memref<128xi32, #tpu.memory_space<vmem>>
      %dma_wait3A_72 = arith.constant 0 : i32
      %dma_wait3A_73 = arith.constant 0 : i32
      %dma_wait3A_74 = tpu.memref_slice %arg4[%dma_wait3A_72, %dma_wait3A_73] : memref<10008x144xf32, #tpu.memory_space<hbm>> -> memref<10008x144xf32, #tpu.memory_space<hbm>>
      tpu.wait_indirect_dma semaphore(%arg10 : memref<!tpu.dma_semaphore, #tpu.memory_space<semaphore_mem>>) src(%dma_wait3A_74 : memref<10008x144xf32, #tpu.memory_space<hbm>>) dst(%arg8 : memref<128x144xf32, #tpu.memory_space<vmem>>)
      "tpu.region"() ({
        %run_scoped3A_75 = tpu.sem_alloc : memref<!tpu.dma_semaphore, #tpu.memory_space<semaphore_mem>>
        %dma_start3A_76 = arith.constant 0 : i32
        %dma_start3A_77 = tpu.memref_slice %arg7[%while3A_64, %dma_start3A_76] : memref<51x128xi32, #tpu.memory_space<vmem>> -> memref<1x128xi32, #tpu.memory_space<vmem>>
        %dma_start3A_78 = tpu.memref_squeeze %dma_start3A_77 : memref<1x128xi32, #tpu.memory_space<vmem>> -> memref<128xi32, #tpu.memory_space<vmem>>
        %dma_start3A_79 = arith.constant 0 : i32
        %dma_start3A_80 = arith.constant 0 : i32
        %dma_start3A_81 = tpu.memref_slice %arg9[%dma_start3A_79, %dma_start3A_80] : memref<10240x144xf32, #tpu.memory_space<vmem_shared>> -> memref<10240x144xf32, #tpu.memory_space<vmem_shared>>
        tpu.enqueue_indirect_dma source(%arg8 : memref<128x144xf32, #tpu.memory_space<vmem>>) target(%dma_start3A_81 : memref<10240x144xf32, #tpu.memory_space<vmem_shared>>) offsets(%dma_start3A_78 : memref<128xi32, #tpu.memory_space<vmem>>) semaphore(%run_scoped3A_75 : memref<!tpu.dma_semaphore, #tpu.memory_space<semaphore_mem>>) {add = true}
        %dma_wait3A_82 = arith.constant 0 : i32
        %dma_wait3A_83 = tpu.memref_slice %arg7[%while3A_64, %dma_wait3A_82] : memref<51x128xi32, #tpu.memory_space<vmem>> -> memref<1x128xi32, #tpu.memory_space<vmem>>
        %dma_wait3A_84 = tpu.memref_squeeze %dma_wait3A_83 : memref<1x128xi32, #tpu.memory_space<vmem>> -> memref<128xi32, #tpu.memory_space<vmem>>
        %dma_wait3A_85 = arith.constant 0 : i32
        %dma_wait3A_86 = arith.constant 0 : i32
        %dma_wait3A_87 = tpu.memref_slice %arg9[%dma_wait3A_85, %dma_wait3A_86] : memref<10240x144xf32, #tpu.memory_space<vmem_shared>> -> memref<10240x144xf32, #tpu.memory_space<vmem_shared>>
        tpu.wait_indirect_dma semaphore(%run_scoped3A_75 : memref<!tpu.dma_semaphore, #tpu.memory_space<semaphore_mem>>) src(%arg8 : memref<128x144xf32, #tpu.memory_space<vmem>>) dst(%dma_wait3A_87 : memref<10240x144xf32, #tpu.memory_space<vmem_shared>>)
        tpu.yield
      }) : () -> ()
    }
    %barrier3A_43 = arith.constant 0 : index
    tpu.barrier barrier_id(%barrier3A_43)
    %mul3A_44 = arith.constant 640 : i32
    %mul3A_45 = arith.muli %arg1, %mul3A_44 : i32
    %add3A_46 = arith.constant 0 : i32
    %add3A_47 = arith.addi %mul3A_45, %add3A_46 : i32
    "tpu.region"() ({
      %run_scoped3A_64 = tpu.sem_alloc : memref<!tpu.dma_semaphore, #tpu.memory_space<semaphore_mem>>
      %dma_start3A = arith.constant 0 : i32
      %dma_start3A_65 = tpu.memref_slice %arg9[%add3A_47, %dma_start3A] : memref<10240x144xf32, #tpu.memory_space<vmem_shared>> -> memref<128x144xf32, #tpu.memory_space<vmem_shared>>
      %dma_start3A_66 = arith.constant 0 : i32
      %dma_start3A_67 = tpu.memref_slice %arg9[%add3A_47, %dma_start3A_66] : memref<10240x144xf32, #tpu.memory_space<vmem_shared>> -> memref<128x144xf32, #tpu.memory_space<vmem_shared>>
      tpu.enqueue_dma source(%dma_start3A_67 : memref<128x144xf32, #tpu.memory_space<vmem_shared>>) target(%arg8 : memref<128x144xf32, #tpu.memory_space<vmem>>) target_semaphore(%run_scoped3A_64 : memref<!tpu.dma_semaphore, #tpu.memory_space<semaphore_mem>>)
      %dma_wait3A = arith.constant 0 : i32
      %dma_wait3A_68 = tpu.memref_slice %arg9[%add3A_47, %dma_wait3A] : memref<10240x144xf32, #tpu.memory_space<vmem_shared>> -> memref<128x144xf32, #tpu.memory_space<vmem_shared>>
      %dma_wait3A_69 = arith.constant 0 : i32
      %dma_wait3A_70 = tpu.memref_slice %arg9[%add3A_47, %dma_wait3A_69] : memref<10240x144xf32, #tpu.memory_space<vmem_shared>> -> memref<128x144xf32, #tpu.memory_space<vmem_shared>>
      tpu.wait_dma2 semaphore(%run_scoped3A_64 : memref<!tpu.dma_semaphore, #tpu.memory_space<semaphore_mem>>) src(%dma_wait3A_70 : memref<128x144xf32, #tpu.memory_space<vmem_shared>>) dst(%arg8 : memref<128x144xf32, #tpu.memory_space<vmem>>)
      tpu.yield
    }) : () -> ()
    "tpu.region"() ({
      %run_scoped3A_64 = tpu.sem_alloc : memref<!tpu.dma_semaphore, #tpu.memory_space<semaphore_mem>>
      %dma_start3A = arith.constant 0 : i32
      %dma_start3A_65 = tpu.memref_slice %arg5[%arg0, %add3A_47, %dma_start3A] : memref<2x10240x144xf32, #tpu.memory_space<hbm>> -> memref<1x128x144xf32, #tpu.memory_space<hbm>>
      %dma_start3A_66 = tpu.memref_squeeze %dma_start3A_65 : memref<1x128x144xf32, #tpu.memory_space<hbm>> -> memref<128x144xf32, #tpu.memory_space<hbm>>
      %dma_start3A_67 = arith.constant 0 : i32
      %dma_start3A_68 = tpu.memref_slice %arg5[%arg0, %add3A_47, %dma_start3A_67] : memref<2x10240x144xf32, #tpu.memory_space<hbm>> -> memref<1x128x144xf32, #tpu.memory_space<hbm>>
      %dma_start3A_69 = tpu.memref_squeeze %dma_start3A_68 : memref<1x128x144xf32, #tpu.memory_space<hbm>> -> memref<128x144xf32, #tpu.memory_space<hbm>>
      tpu.enqueue_dma source(%arg8 : memref<128x144xf32, #tpu.memory_space<vmem>>) target(%dma_start3A_69 : memref<128x144xf32, #tpu.memory_space<hbm>>) target_semaphore(%run_scoped3A_64 : memref<!tpu.dma_semaphore, #tpu.memory_space<semaphore_mem>>)
      %dma_wait3A = arith.constant 0 : i32
      %dma_wait3A_70 = tpu.memref_slice %arg5[%arg0, %add3A_47, %dma_wait3A] : memref<2x10240x144xf32, #tpu.memory_space<hbm>> -> memref<1x128x144xf32, #tpu.memory_space<hbm>>
      %dma_wait3A_71 = tpu.memref_squeeze %dma_wait3A_70 : memref<1x128x144xf32, #tpu.memory_space<hbm>> -> memref<128x144xf32, #tpu.memory_space<hbm>>
      %dma_wait3A_72 = arith.constant 0 : i32
      %dma_wait3A_73 = tpu.memref_slice %arg5[%arg0, %add3A_47, %dma_wait3A_72] : memref<2x10240x144xf32, #tpu.memory_space<hbm>> -> memref<1x128x144xf32, #tpu.memory_space<hbm>>
      %dma_wait3A_74 = tpu.memref_squeeze %dma_wait3A_73 : memref<1x128x144xf32, #tpu.memory_space<hbm>> -> memref<128x144xf32, #tpu.memory_space<hbm>>
      tpu.wait_dma2 semaphore(%run_scoped3A_64 : memref<!tpu.dma_semaphore, #tpu.memory_space<semaphore_mem>>) src(%arg8 : memref<128x144xf32, #tpu.memory_space<vmem>>) dst(%dma_wait3A_74 : memref<128x144xf32, #tpu.memory_space<hbm>>)
      tpu.yield
    }) : () -> ()
    %mul3A_48 = arith.constant 640 : i32
    %mul3A_49 = arith.muli %arg1, %mul3A_48 : i32
    %add3A_50 = arith.constant 128 : i32
    %add3A_51 = arith.addi %mul3A_49, %add3A_50 : i32
    "tpu.region"() ({
      %run_scoped3A_64 = tpu.sem_alloc : memref<!tpu.dma_semaphore, #tpu.memory_space<semaphore_mem>>
      %dma_start3A = arith.constant 0 : i32
      %dma_start3A_65 = tpu.memref_slice %arg9[%add3A_51, %dma_start3A] : memref<10240x144xf32, #tpu.memory_space<vmem_shared>> -> memref<128x144xf32, #tpu.memory_space<vmem_shared>>
      %dma_start3A_66 = arith.constant 0 : i32
      %dma_start3A_67 = tpu.memref_slice %arg9[%add3A_51, %dma_start3A_66] : memref<10240x144xf32, #tpu.memory_space<vmem_shared>> -> memref<128x144xf32, #tpu.memory_space<vmem_shared>>
      tpu.enqueue_dma source(%dma_start3A_67 : memref<128x144xf32, #tpu.memory_space<vmem_shared>>) target(%arg8 : memref<128x144xf32, #tpu.memory_space<vmem>>) target_semaphore(%run_scoped3A_64 : memref<!tpu.dma_semaphore, #tpu.memory_space<semaphore_mem>>)
      %dma_wait3A = arith.constant 0 : i32
      %dma_wait3A_68 = tpu.memref_slice %arg9[%add3A_51, %dma_wait3A] : memref<10240x144xf32, #tpu.memory_space<vmem_shared>> -> memref<128x144xf32, #tpu.memory_space<vmem_shared>>
      %dma_wait3A_69 = arith.constant 0 : i32
      %dma_wait3A_70 = tpu.memref_slice %arg9[%add3A_51, %dma_wait3A_69] : memref<10240x144xf32, #tpu.memory_space<vmem_shared>> -> memref<128x144xf32, #tpu.memory_space<vmem_shared>>
      tpu.wait_dma2 semaphore(%run_scoped3A_64 : memref<!tpu.dma_semaphore, #tpu.memory_space<semaphore_mem>>) src(%dma_wait3A_70 : memref<128x144xf32, #tpu.memory_space<vmem_shared>>) dst(%arg8 : memref<128x144xf32, #tpu.memory_space<vmem>>)
      tpu.yield
    }) : () -> ()
    "tpu.region"() ({
      %run_scoped3A_64 = tpu.sem_alloc : memref<!tpu.dma_semaphore, #tpu.memory_space<semaphore_mem>>
      %dma_start3A = arith.constant 0 : i32
      %dma_start3A_65 = tpu.memref_slice %arg5[%arg0, %add3A_51, %dma_start3A] : memref<2x10240x144xf32, #tpu.memory_space<hbm>> -> memref<1x128x144xf32, #tpu.memory_space<hbm>>
      %dma_start3A_66 = tpu.memref_squeeze %dma_start3A_65 : memref<1x128x144xf32, #tpu.memory_space<hbm>> -> memref<128x144xf32, #tpu.memory_space<hbm>>
      %dma_start3A_67 = arith.constant 0 : i32
      %dma_start3A_68 = tpu.memref_slice %arg5[%arg0, %add3A_51, %dma_start3A_67] : memref<2x10240x144xf32, #tpu.memory_space<hbm>> -> memref<1x128x144xf32, #tpu.memory_space<hbm>>
      %dma_start3A_69 = tpu.memref_squeeze %dma_start3A_68 : memref<1x128x144xf32, #tpu.memory_space<hbm>> -> memref<128x144xf32, #tpu.memory_space<hbm>>
      tpu.enqueue_dma source(%arg8 : memref<128x144xf32, #tpu.memory_space<vmem>>) target(%dma_start3A_69 : memref<128x144xf32, #tpu.memory_space<hbm>>) target_semaphore(%run_scoped3A_64 : memref<!tpu.dma_semaphore, #tpu.memory_space<semaphore_mem>>)
      %dma_wait3A = arith.constant 0 : i32
      %dma_wait3A_70 = tpu.memref_slice %arg5[%arg0, %add3A_51, %dma_wait3A] : memref<2x10240x144xf32, #tpu.memory_space<hbm>> -> memref<1x128x144xf32, #tpu.memory_space<hbm>>
      %dma_wait3A_71 = tpu.memref_squeeze %dma_wait3A_70 : memref<1x128x144xf32, #tpu.memory_space<hbm>> -> memref<128x144xf32, #tpu.memory_space<hbm>>
      %dma_wait3A_72 = arith.constant 0 : i32
      %dma_wait3A_73 = tpu.memref_slice %arg5[%arg0, %add3A_51, %dma_wait3A_72] : memref<2x10240x144xf32, #tpu.memory_space<hbm>> -> memref<1x128x144xf32, #tpu.memory_space<hbm>>
      %dma_wait3A_74 = tpu.memref_squeeze %dma_wait3A_73 : memref<1x128x144xf32, #tpu.memory_space<hbm>> -> memref<128x144xf32, #tpu.memory_space<hbm>>
      tpu.wait_dma2 semaphore(%run_scoped3A_64 : memref<!tpu.dma_semaphore, #tpu.memory_space<semaphore_mem>>) src(%arg8 : memref<128x144xf32, #tpu.memory_space<vmem>>) dst(%dma_wait3A_74 : memref<128x144xf32, #tpu.memory_space<hbm>>)
      tpu.yield
    }) : () -> ()
    %mul3A_52 = arith.constant 640 : i32
    %mul3A_53 = arith.muli %arg1, %mul3A_52 : i32
    %add3A_54 = arith.constant 256 : i32
    %add3A_55 = arith.addi %mul3A_53, %add3A_54 : i32
    "tpu.region"() ({
      %run_scoped3A_64 = tpu.sem_alloc : memref<!tpu.dma_semaphore, #tpu.memory_space<semaphore_mem>>
      %dma_start3A = arith.constant 0 : i32
      %dma_start3A_65 = tpu.memref_slice %arg9[%add3A_55, %dma_start3A] : memref<10240x144xf32, #tpu.memory_space<vmem_shared>> -> memref<128x144xf32, #tpu.memory_space<vmem_shared>>
      %dma_start3A_66 = arith.constant 0 : i32
      %dma_start3A_67 = tpu.memref_slice %arg9[%add3A_55, %dma_start3A_66] : memref<10240x144xf32, #tpu.memory_space<vmem_shared>> -> memref<128x144xf32, #tpu.memory_space<vmem_shared>>
      tpu.enqueue_dma source(%dma_start3A_67 : memref<128x144xf32, #tpu.memory_space<vmem_shared>>) target(%arg8 : memref<128x144xf32, #tpu.memory_space<vmem>>) target_semaphore(%run_scoped3A_64 : memref<!tpu.dma_semaphore, #tpu.memory_space<semaphore_mem>>)
      %dma_wait3A = arith.constant 0 : i32
      %dma_wait3A_68 = tpu.memref_slice %arg9[%add3A_55, %dma_wait3A] : memref<10240x144xf32, #tpu.memory_space<vmem_shared>> -> memref<128x144xf32, #tpu.memory_space<vmem_shared>>
      %dma_wait3A_69 = arith.constant 0 : i32
      %dma_wait3A_70 = tpu.memref_slice %arg9[%add3A_55, %dma_wait3A_69] : memref<10240x144xf32, #tpu.memory_space<vmem_shared>> -> memref<128x144xf32, #tpu.memory_space<vmem_shared>>
      tpu.wait_dma2 semaphore(%run_scoped3A_64 : memref<!tpu.dma_semaphore, #tpu.memory_space<semaphore_mem>>) src(%dma_wait3A_70 : memref<128x144xf32, #tpu.memory_space<vmem_shared>>) dst(%arg8 : memref<128x144xf32, #tpu.memory_space<vmem>>)
      tpu.yield
    }) : () -> ()
    "tpu.region"() ({
      %run_scoped3A_64 = tpu.sem_alloc : memref<!tpu.dma_semaphore, #tpu.memory_space<semaphore_mem>>
      %dma_start3A = arith.constant 0 : i32
      %dma_start3A_65 = tpu.memref_slice %arg5[%arg0, %add3A_55, %dma_start3A] : memref<2x10240x144xf32, #tpu.memory_space<hbm>> -> memref<1x128x144xf32, #tpu.memory_space<hbm>>
      %dma_start3A_66 = tpu.memref_squeeze %dma_start3A_65 : memref<1x128x144xf32, #tpu.memory_space<hbm>> -> memref<128x144xf32, #tpu.memory_space<hbm>>
      %dma_start3A_67 = arith.constant 0 : i32
      %dma_start3A_68 = tpu.memref_slice %arg5[%arg0, %add3A_55, %dma_start3A_67] : memref<2x10240x144xf32, #tpu.memory_space<hbm>> -> memref<1x128x144xf32, #tpu.memory_space<hbm>>
      %dma_start3A_69 = tpu.memref_squeeze %dma_start3A_68 : memref<1x128x144xf32, #tpu.memory_space<hbm>> -> memref<128x144xf32, #tpu.memory_space<hbm>>
      tpu.enqueue_dma source(%arg8 : memref<128x144xf32, #tpu.memory_space<vmem>>) target(%dma_start3A_69 : memref<128x144xf32, #tpu.memory_space<hbm>>) target_semaphore(%run_scoped3A_64 : memref<!tpu.dma_semaphore, #tpu.memory_space<semaphore_mem>>)
      %dma_wait3A = arith.constant 0 : i32
      %dma_wait3A_70 = tpu.memref_slice %arg5[%arg0, %add3A_55, %dma_wait3A] : memref<2x10240x144xf32, #tpu.memory_space<hbm>> -> memref<1x128x144xf32, #tpu.memory_space<hbm>>
      %dma_wait3A_71 = tpu.memref_squeeze %dma_wait3A_70 : memref<1x128x144xf32, #tpu.memory_space<hbm>> -> memref<128x144xf32, #tpu.memory_space<hbm>>
      %dma_wait3A_72 = arith.constant 0 : i32
      %dma_wait3A_73 = tpu.memref_slice %arg5[%arg0, %add3A_55, %dma_wait3A_72] : memref<2x10240x144xf32, #tpu.memory_space<hbm>> -> memref<1x128x144xf32, #tpu.memory_space<hbm>>
      %dma_wait3A_74 = tpu.memref_squeeze %dma_wait3A_73 : memref<1x128x144xf32, #tpu.memory_space<hbm>> -> memref<128x144xf32, #tpu.memory_space<hbm>>
      tpu.wait_dma2 semaphore(%run_scoped3A_64 : memref<!tpu.dma_semaphore, #tpu.memory_space<semaphore_mem>>) src(%arg8 : memref<128x144xf32, #tpu.memory_space<vmem>>) dst(%dma_wait3A_74 : memref<128x144xf32, #tpu.memory_space<hbm>>)
      tpu.yield
    }) : () -> ()
    %mul3A_56 = arith.constant 640 : i32
    %mul3A_57 = arith.muli %arg1, %mul3A_56 : i32
    %add3A_58 = arith.constant 384 : i32
    %add3A_59 = arith.addi %mul3A_57, %add3A_58 : i32
    "tpu.region"() ({
      %run_scoped3A_64 = tpu.sem_alloc : memref<!tpu.dma_semaphore, #tpu.memory_space<semaphore_mem>>
      %dma_start3A = arith.constant 0 : i32
      %dma_start3A_65 = tpu.memref_slice %arg9[%add3A_59, %dma_start3A] : memref<10240x144xf32, #tpu.memory_space<vmem_shared>> -> memref<128x144xf32, #tpu.memory_space<vmem_shared>>
      %dma_start3A_66 = arith.constant 0 : i32
      %dma_start3A_67 = tpu.memref_slice %arg9[%add3A_59, %dma_start3A_66] : memref<10240x144xf32, #tpu.memory_space<vmem_shared>> -> memref<128x144xf32, #tpu.memory_space<vmem_shared>>
      tpu.enqueue_dma source(%dma_start3A_67 : memref<128x144xf32, #tpu.memory_space<vmem_shared>>) target(%arg8 : memref<128x144xf32, #tpu.memory_space<vmem>>) target_semaphore(%run_scoped3A_64 : memref<!tpu.dma_semaphore, #tpu.memory_space<semaphore_mem>>)
      %dma_wait3A = arith.constant 0 : i32
      %dma_wait3A_68 = tpu.memref_slice %arg9[%add3A_59, %dma_wait3A] : memref<10240x144xf32, #tpu.memory_space<vmem_shared>> -> memref<128x144xf32, #tpu.memory_space<vmem_shared>>
      %dma_wait3A_69 = arith.constant 0 : i32
      %dma_wait3A_70 = tpu.memref_slice %arg9[%add3A_59, %dma_wait3A_69] : memref<10240x144xf32, #tpu.memory_space<vmem_shared>> -> memref<128x144xf32, #tpu.memory_space<vmem_shared>>
      tpu.wait_dma2 semaphore(%run_scoped3A_64 : memref<!tpu.dma_semaphore, #tpu.memory_space<semaphore_mem>>) src(%dma_wait3A_70 : memref<128x144xf32, #tpu.memory_space<vmem_shared>>) dst(%arg8 : memref<128x144xf32, #tpu.memory_space<vmem>>)
      tpu.yield
    }) : () -> ()
    "tpu.region"() ({
      %run_scoped3A_64 = tpu.sem_alloc : memref<!tpu.dma_semaphore, #tpu.memory_space<semaphore_mem>>
      %dma_start3A = arith.constant 0 : i32
      %dma_start3A_65 = tpu.memref_slice %arg5[%arg0, %add3A_59, %dma_start3A] : memref<2x10240x144xf32, #tpu.memory_space<hbm>> -> memref<1x128x144xf32, #tpu.memory_space<hbm>>
      %dma_start3A_66 = tpu.memref_squeeze %dma_start3A_65 : memref<1x128x144xf32, #tpu.memory_space<hbm>> -> memref<128x144xf32, #tpu.memory_space<hbm>>
      %dma_start3A_67 = arith.constant 0 : i32
      %dma_start3A_68 = tpu.memref_slice %arg5[%arg0, %add3A_59, %dma_start3A_67] : memref<2x10240x144xf32, #tpu.memory_space<hbm>> -> memref<1x128x144xf32, #tpu.memory_space<hbm>>
      %dma_start3A_69 = tpu.memref_squeeze %dma_start3A_68 : memref<1x128x144xf32, #tpu.memory_space<hbm>> -> memref<128x144xf32, #tpu.memory_space<hbm>>
      tpu.enqueue_dma source(%arg8 : memref<128x144xf32, #tpu.memory_space<vmem>>) target(%dma_start3A_69 : memref<128x144xf32, #tpu.memory_space<hbm>>) target_semaphore(%run_scoped3A_64 : memref<!tpu.dma_semaphore, #tpu.memory_space<semaphore_mem>>)
      %dma_wait3A = arith.constant 0 : i32
      %dma_wait3A_70 = tpu.memref_slice %arg5[%arg0, %add3A_59, %dma_wait3A] : memref<2x10240x144xf32, #tpu.memory_space<hbm>> -> memref<1x128x144xf32, #tpu.memory_space<hbm>>
      %dma_wait3A_71 = tpu.memref_squeeze %dma_wait3A_70 : memref<1x128x144xf32, #tpu.memory_space<hbm>> -> memref<128x144xf32, #tpu.memory_space<hbm>>
      %dma_wait3A_72 = arith.constant 0 : i32
      %dma_wait3A_73 = tpu.memref_slice %arg5[%arg0, %add3A_59, %dma_wait3A_72] : memref<2x10240x144xf32, #tpu.memory_space<hbm>> -> memref<1x128x144xf32, #tpu.memory_space<hbm>>
      %dma_wait3A_74 = tpu.memref_squeeze %dma_wait3A_73 : memref<1x128x144xf32, #tpu.memory_space<hbm>> -> memref<128x144xf32, #tpu.memory_space<hbm>>
      tpu.wait_dma2 semaphore(%run_scoped3A_64 : memref<!tpu.dma_semaphore, #tpu.memory_space<semaphore_mem>>) src(%arg8 : memref<128x144xf32, #tpu.memory_space<vmem>>) dst(%dma_wait3A_74 : memref<128x144xf32, #tpu.memory_space<hbm>>)
      tpu.yield
    }) : () -> ()
    %mul3A_60 = arith.constant 640 : i32
    %mul3A_61 = arith.muli %arg1, %mul3A_60 : i32
    %add3A_62 = arith.constant 512 : i32
    %add3A_63 = arith.addi %mul3A_61, %add3A_62 : i32
    "tpu.region"() ({
      %run_scoped3A_64 = tpu.sem_alloc : memref<!tpu.dma_semaphore, #tpu.memory_space<semaphore_mem>>
      %dma_start3A = arith.constant 0 : i32
      %dma_start3A_65 = tpu.memref_slice %arg9[%add3A_63, %dma_start3A] : memref<10240x144xf32, #tpu.memory_space<vmem_shared>> -> memref<128x144xf32, #tpu.memory_space<vmem_shared>>
      %dma_start3A_66 = arith.constant 0 : i32
      %dma_start3A_67 = tpu.memref_slice %arg9[%add3A_63, %dma_start3A_66] : memref<10240x144xf32, #tpu.memory_space<vmem_shared>> -> memref<128x144xf32, #tpu.memory_space<vmem_shared>>
      tpu.enqueue_dma source(%dma_start3A_67 : memref<128x144xf32, #tpu.memory_space<vmem_shared>>) target(%arg8 : memref<128x144xf32, #tpu.memory_space<vmem>>) target_semaphore(%run_scoped3A_64 : memref<!tpu.dma_semaphore, #tpu.memory_space<semaphore_mem>>)
      %dma_wait3A = arith.constant 0 : i32
      %dma_wait3A_68 = tpu.memref_slice %arg9[%add3A_63, %dma_wait3A] : memref<10240x144xf32, #tpu.memory_space<vmem_shared>> -> memref<128x144xf32, #tpu.memory_space<vmem_shared>>
      %dma_wait3A_69 = arith.constant 0 : i32
      %dma_wait3A_70 = tpu.memref_slice %arg9[%add3A_63, %dma_wait3A_69] : memref<10240x144xf32, #tpu.memory_space<vmem_shared>> -> memref<128x144xf32, #tpu.memory_space<vmem_shared>>
      tpu.wait_dma2 semaphore(%run_scoped3A_64 : memref<!tpu.dma_semaphore, #tpu.memory_space<semaphore_mem>>) src(%dma_wait3A_70 : memref<128x144xf32, #tpu.memory_space<vmem_shared>>) dst(%arg8 : memref<128x144xf32, #tpu.memory_space<vmem>>)
      tpu.yield
    }) : () -> ()
    "tpu.region"() ({
      %run_scoped3A_64 = tpu.sem_alloc : memref<!tpu.dma_semaphore, #tpu.memory_space<semaphore_mem>>
      %dma_start3A = arith.constant 0 : i32
      %dma_start3A_65 = tpu.memref_slice %arg5[%arg0, %add3A_63, %dma_start3A] : memref<2x10240x144xf32, #tpu.memory_space<hbm>> -> memref<1x128x144xf32, #tpu.memory_space<hbm>>
      %dma_start3A_66 = tpu.memref_squeeze %dma_start3A_65 : memref<1x128x144xf32, #tpu.memory_space<hbm>> -> memref<128x144xf32, #tpu.memory_space<hbm>>
      %dma_start3A_67 = arith.constant 0 : i32
      %dma_start3A_68 = tpu.memref_slice %arg5[%arg0, %add3A_63, %dma_start3A_67] : memref<2x10240x144xf32, #tpu.memory_space<hbm>> -> memref<1x128x144xf32, #tpu.memory_space<hbm>>
      %dma_start3A_69 = tpu.memref_squeeze %dma_start3A_68 : memref<1x128x144xf32, #tpu.memory_space<hbm>> -> memref<128x144xf32, #tpu.memory_space<hbm>>
      tpu.enqueue_dma source(%arg8 : memref<128x144xf32, #tpu.memory_space<vmem>>) target(%dma_start3A_69 : memref<128x144xf32, #tpu.memory_space<hbm>>) target_semaphore(%run_scoped3A_64 : memref<!tpu.dma_semaphore, #tpu.memory_space<semaphore_mem>>)
      %dma_wait3A = arith.constant 0 : i32
      %dma_wait3A_70 = tpu.memref_slice %arg5[%arg0, %add3A_63, %dma_wait3A] : memref<2x10240x144xf32, #tpu.memory_space<hbm>> -> memref<1x128x144xf32, #tpu.memory_space<hbm>>
      %dma_wait3A_71 = tpu.memref_squeeze %dma_wait3A_70 : memref<1x128x144xf32, #tpu.memory_space<hbm>> -> memref<128x144xf32, #tpu.memory_space<hbm>>
      %dma_wait3A_72 = arith.constant 0 : i32
      %dma_wait3A_73 = tpu.memref_slice %arg5[%arg0, %add3A_63, %dma_wait3A_72] : memref<2x10240x144xf32, #tpu.memory_space<hbm>> -> memref<1x128x144xf32, #tpu.memory_space<hbm>>
      %dma_wait3A_74 = tpu.memref_squeeze %dma_wait3A_73 : memref<1x128x144xf32, #tpu.memory_space<hbm>> -> memref<128x144xf32, #tpu.memory_space<hbm>>
      tpu.wait_dma2 semaphore(%run_scoped3A_64 : memref<!tpu.dma_semaphore, #tpu.memory_space<semaphore_mem>>) src(%arg8 : memref<128x144xf32, #tpu.memory_space<vmem>>) dst(%dma_wait3A_74 : memref<128x144xf32, #tpu.memory_space<hbm>>)
      tpu.yield
    }) : () -> ()
    return
  }
}

module attributes {stable_mosaic.version = 14 : i64} {
  func.func @_proj_body(%arg0: i32, %arg1: memref<1112x128xf32, #tpu.memory_space<vmem>>, %arg2: memref<128x128xf32, #tpu.memory_space<vmem>>, %arg3: memref<1x128xf32, #tpu.memory_space<vmem>>, %arg4: memref<1112x144xf32, #tpu.memory_space<vmem>>) attributes {dimension_semantics = [#tpu.dimension_semantics<arbitrary>], iteration_bounds = array<i64: 9>, scalar_prefetch = 0 : i64, scratch_operands = 0 : i64, tpu.core_type = #tpu.core_type<tc>, window_params = [{transform_indices = @transform_0, window_bounds = array<i64: 1112, 128>}, {pipeline_mode = #tpu.pipeline_mode<synchronous>, transform_indices = @transform_1, window_bounds = array<i64: 128, 128>}, {pipeline_mode = #tpu.pipeline_mode<synchronous>, transform_indices = @transform_2, window_bounds = array<i64: 1, 128>}, {transform_indices = @transform_3, window_bounds = array<i64: 1112, 144>}]} {
    %get3A = arith.constant 0 : index
    %get3A_0 = arith.constant 0 : index
    %get3A_1 = vector.load %arg1[%get3A, %get3A_0] : memref<1112x128xf32, #tpu.memory_space<vmem>>, vector<1112x128xf32>
    %get3A_2 = arith.constant 0 : index
    %get3A_3 = arith.constant 0 : index
    %get3A_4 = vector.load %arg2[%get3A_2, %get3A_3] : memref<128x128xf32, #tpu.memory_space<vmem>>, vector<128x128xf32>
    %dot_general3A = arith.constant dense<0.000000e+00> : vector<1112x128xf32>
    %dot_general3A_5 = tpu.matmul %get3A_1, %get3A_4, %dot_general3A {dimension_numbers = #tpu.dot_dimension_numbers<[1], [0], [0], [1], [0, 0, 1, 1], [], []>, transpose_lhs_hint = false} : vector<1112x128xf32>, vector<128x128xf32>, vector<1112x128xf32> -> vector<1112x128xf32>
    %get3A_6 = arith.constant 0 : index
    %get3A_7 = arith.constant 0 : index
    %get3A_8 = vector.load %arg3[%get3A_6, %get3A_7] : memref<1x128xf32, #tpu.memory_space<vmem>>, vector<1x128xf32>
    %add3A = vector.broadcast %get3A_8 : vector<1x128xf32> to vector<1112x128xf32>
    %add3A_9 = arith.addf %dot_general3A_5, %add3A : vector<1112x128xf32>
    %max3A = arith.constant 0.000000e+00 : f32
    %max3A_10 = vector.broadcast %max3A : f32 to vector<1112x128xf32>
    %max3A_11 = arith.maximumf %add3A_9, %max3A_10 : vector<1112x128xf32>
    %mul3A = arith.constant 1112 : i32
    %mul3A_12 = arith.muli %arg0, %mul3A : i32
    %iota3A = tpu.iota {dimensions = array<i32: 0>} : vector<1112x1xi32>
    %add3A_13 = vector.broadcast %mul3A_12 : i32 to vector<1112x1xi32>
    %add3A_14 = arith.addi %add3A_13, %iota3A : vector<1112x1xi32>
    %broadcast_in_dim3A = arith.constant 1.000000e+00 : f32
    %broadcast_in_dim3A_15 = vector.broadcast %broadcast_in_dim3A : f32 to vector<1112x16xf32>
    %concatenate3A = tpu.concatenate %max3A_11, %broadcast_in_dim3A_15 in 1 : vector<1112x128xf32>, vector<1112x16xf32> -> vector<1112x144xf32>
    %lt3A = arith.constant 10000 : i32
    %lt3A_16 = vector.broadcast %lt3A : i32 to vector<1112x1xi32>
    %lt3A_17 = arith.cmpi slt, %add3A_14, %lt3A_16 : vector<1112x1xi32>
    %jit3A = arith.constant 0.000000e+00 : f32
    %broadcast_in_dim3A_18 = vector.shape_cast %lt3A_17 : vector<1112x1xi1> to vector<1112x1xi1>
    %broadcast_in_dim3A_19 = vector.broadcast %broadcast_in_dim3A_18 : vector<1112x1xi1> to vector<1112x144xi1>
    %broadcast_in_dim3A_20 = vector.broadcast %jit3A : f32 to vector<1112x144xf32>
    %select_n3A = arith.select %broadcast_in_dim3A_19, %concatenate3A, %broadcast_in_dim3A_20 : vector<1112x144xi1>, vector<1112x144xf32>
    %swap3A = arith.constant 0 : index
    %swap3A_21 = arith.constant 0 : index
    %swap3A_22 = vector.load %arg4[%swap3A, %swap3A_21] : memref<1112x144xf32, #tpu.memory_space<vmem>>, vector<1112x144xf32>
    tpu.vector_store %arg4[%swap3A, %swap3A_21], %select_n3A {strides = array<i32>} : memref<1112x144xf32, #tpu.memory_space<vmem>>, vector<1112x144xf32>,
    return
  }
  func.func @transform_0(%arg0: i32) -> (i32, i32) {
    %c0_i32 = arith.constant 0 : i32
    %c0_i32_0 = arith.constant 0 : i32
    return %arg0, %c0_i32 : i32, i32
  }
  func.func @transform_1(%arg0: i32) -> (i32, i32) {
    %c0_i32 = arith.constant 0 : i32
    %c0_i32_0 = arith.constant 0 : i32
    %c0_i32_1 = arith.constant 0 : i32
    return %c0_i32, %c0_i32_0 : i32, i32
  }
  func.func @transform_2(%arg0: i32) -> (i32, i32) {
    %c0_i32 = arith.constant 0 : i32
    %c0_i32_0 = arith.constant 0 : i32
    %c0_i32_1 = arith.constant 0 : i32
    return %c0_i32, %c0_i32_0 : i32, i32
  }
  func.func @transform_3(%arg0: i32) -> (i32, i32) {
    %c0_i32 = arith.constant 0 : i32
    %c0_i32_0 = arith.constant 0 : i32
    return %arg0, %c0_i32 : i32, i32
  }
}

module attributes {stable_mosaic.version = 14 : i64} {
  func.func @_post_body(%arg0: i32, %arg1: memref<2x1000x144xf32, #tpu.memory_space<vmem>>, %arg2: memref<1000x144xf32, #tpu.memory_space<vmem>>, %arg3: memref<128x128xf32, #tpu.memory_space<vmem>>, %arg4: memref<1x128xf32, #tpu.memory_space<vmem>>, %arg5: memref<128x128xf32, #tpu.memory_space<vmem>>, %arg6: memref<1x128xf32, #tpu.memory_space<vmem>>, %arg7: memref<1x128xf32, #tpu.memory_space<vmem>>, %arg8: memref<128x128xf32, #tpu.memory_space<vmem>>, %arg9: memref<1x128xf32, #tpu.memory_space<vmem>>, %arg10: memref<1x128xf32, #tpu.memory_space<vmem>>, %arg11: memref<1x128xf32, #tpu.memory_space<vmem>>) attributes {dimension_semantics = [#tpu.dimension_semantics<arbitrary>], iteration_bounds = array<i64: 10>, scalar_prefetch = 0 : i64, scratch_operands = 1 : i64, tpu.core_type = #tpu.core_type<tc>, window_params = [{transform_indices = @transform_0, window_bounds = array<i64: 2, 1000, 144>}, {transform_indices = @transform_1, window_bounds = array<i64: 1000, 144>}, {pipeline_mode = #tpu.pipeline_mode<synchronous>, transform_indices = @transform_2, window_bounds = array<i64: 128, 128>}, {pipeline_mode = #tpu.pipeline_mode<synchronous>, transform_indices = @transform_3, window_bounds = array<i64: 1, 128>}, {pipeline_mode = #tpu.pipeline_mode<synchronous>, transform_indices = @transform_4, window_bounds = array<i64: 128, 128>}, {pipeline_mode = #tpu.pipeline_mode<synchronous>, transform_indices = @transform_5, window_bounds = array<i64: 1, 128>}, {pipeline_mode = #tpu.pipeline_mode<synchronous>, transform_indices = @transform_6, window_bounds = array<i64: 1, 128>}, {pipeline_mode = #tpu.pipeline_mode<synchronous>, transform_indices = @transform_7, window_bounds = array<i64: 128, 128>}, {pipeline_mode = #tpu.pipeline_mode<synchronous>, transform_indices = @transform_8, window_bounds = array<i64: 1, 128>}, {pipeline_mode = #tpu.pipeline_mode<synchronous>, transform_indices = @transform_9, window_bounds = array<i64: 1, 128>}]} {
    %get3A = arith.constant 0 : index
    %get3A_0 = arith.constant 0 : index
    %get3A_1 = arith.constant 0 : index
    %get3A_2 = vector.load %arg1[%get3A, %get3A_0, %get3A_1] : memref<2x1000x144xf32, #tpu.memory_space<vmem>>, vector<1x1000x144xf32>
    %get3A_3 = vector.shape_cast %get3A_2 : vector<1x1000x144xf32> to vector<1000x144xf32>
    %get3A_4 = arith.constant 1 : index
    %get3A_5 = arith.constant 0 : index
    %get3A_6 = arith.constant 0 : index
    %get3A_7 = vector.load %arg1[%get3A_4, %get3A_5, %get3A_6] : memref<2x1000x144xf32, #tpu.memory_space<vmem>>, vector<1x1000x144xf32>
    %get3A_8 = vector.shape_cast %get3A_7 : vector<1x1000x144xf32> to vector<1000x144xf32>
    %slice3A = vector.extract_strided_slice %get3A_3 {offsets = [0, 0], sizes = [1000, 128], strides = [1, 1]} : vector<1000x144xf32> to vector<1000x128xf32>
    %slice3A_9 = vector.extract_strided_slice %get3A_8 {offsets = [0, 0], sizes = [1000, 128], strides = [1, 1]} : vector<1000x144xf32> to vector<1000x128xf32>
    %add3A = arith.addf %slice3A, %slice3A_9 : vector<1000x128xf32>
    %slice3A_10 = vector.extract_strided_slice %get3A_3 {offsets = [0, 128], sizes = [1000, 1], strides = [1, 1]} : vector<1000x144xf32> to vector<1000x1xf32>
    %slice3A_11 = vector.extract_strided_slice %get3A_8 {offsets = [0, 128], sizes = [1000, 1], strides = [1, 1]} : vector<1000x144xf32> to vector<1000x1xf32>
    %add3A_12 = arith.addf %slice3A_10, %slice3A_11 : vector<1000x1xf32>
    %max3A = arith.constant 1.000000e+00 : f32
    %max3A_13 = vector.broadcast %max3A : f32 to vector<1000x1xf32>
    %max3A_14 = arith.maximumf %add3A_12, %max3A_13 : vector<1000x1xf32>
    %div3A = arith.constant 1.000000e+00 : f32
    %div3A_15 = vector.broadcast %div3A : f32 to vector<1000x1xf32>
    %div3A_16 = arith.divf %div3A_15, %max3A_14 : vector<1000x1xf32>
    %mul3A = vector.broadcast %div3A_16 : vector<1000x1xf32> to vector<1000x128xf32>
    %mul3A_17 = arith.mulf %add3A, %mul3A : vector<1000x128xf32>
    %get3A_18 = arith.constant 0 : index
    %get3A_19 = arith.constant 0 : index
    %get3A_20 = vector.load %arg2[%get3A_18, %get3A_19] : memref<1000x144xf32, #tpu.memory_space<vmem>>, vector<1000x128xf32>
    %get3A_21 = arith.constant 0 : index
    %get3A_22 = arith.constant 0 : index
    %get3A_23 = vector.load %arg3[%get3A_21, %get3A_22] : memref<128x128xf32, #tpu.memory_space<vmem>>, vector<128x128xf32>
    %dot_general3A = arith.constant dense<0.000000e+00> : vector<1000x128xf32>
    %dot_general3A_24 = tpu.matmul %mul3A_17, %get3A_23, %dot_general3A {dimension_numbers = #tpu.dot_dimension_numbers<[1], [0], [0], [1], [0, 0, 1, 1], [], []>, transpose_lhs_hint = false} : vector<1000x128xf32>, vector<128x128xf32>, vector<1000x128xf32> -> vector<1000x128xf32>
    %get3A_25 = arith.constant 0 : index
    %get3A_26 = arith.constant 0 : index
    %get3A_27 = vector.load %arg4[%get3A_25, %get3A_26] : memref<1x128xf32, #tpu.memory_space<vmem>>, vector<1x128xf32>
    %add3A_28 = vector.broadcast %get3A_27 : vector<1x128xf32> to vector<1000x128xf32>
    %add3A_29 = arith.addf %dot_general3A_24, %add3A_28 : vector<1000x128xf32>
    %get3A_30 = arith.constant 0 : index
    %get3A_31 = arith.constant 0 : index
    %get3A_32 = vector.load %arg5[%get3A_30, %get3A_31] : memref<128x128xf32, #tpu.memory_space<vmem>>, vector<128x128xf32>
    %dot_general3A_33 = arith.constant dense<0.000000e+00> : vector<1000x128xf32>
    %dot_general3A_34 = tpu.matmul %get3A_20, %get3A_32, %dot_general3A_33 {dimension_numbers = #tpu.dot_dimension_numbers<[1], [0], [0], [1], [0, 0, 1, 1], [], []>, transpose_lhs_hint = false} : vector<1000x128xf32>, vector<128x128xf32>, vector<1000x128xf32> -> vector<1000x128xf32>
    %add3A_35 = arith.addf %add3A_29, %dot_general3A_34 : vector<1000x128xf32>
    %reduce_sum3A = arith.constant dense<0.000000e+00> : vector<1000xf32>
    %reduce_sum3A_36 = vector.multi_reduction <add>, %add3A_35, %reduce_sum3A [1] : vector<1000x128xf32> to vector<1000xf32>
    %broadcast_in_dim3A = vector.shape_cast %reduce_sum3A_36 : vector<1000xf32> to vector<1000x1xf32>
    %div3A_37 = arith.constant 1.280000e+02 : f32
    %div3A_38 = vector.broadcast %div3A_37 : f32 to vector<1000x1xf32>
    %div3A_39 = arith.divf %broadcast_in_dim3A, %div3A_38 : vector<1000x1xf32>
    %sub3A = vector.broadcast %div3A_39 : vector<1000x1xf32> to vector<1000x128xf32>
    %sub3A_40 = arith.subf %add3A_35, %sub3A : vector<1000x128xf32>
    %mul3A_41 = arith.mulf %sub3A_40, %sub3A_40 : vector<1000x128xf32>
    %reduce_sum3A_42 = arith.constant dense<0.000000e+00> : vector<1000xf32>
    %reduce_sum3A_43 = vector.multi_reduction <add>, %mul3A_41, %reduce_sum3A_42 [1] : vector<1000x128xf32> to vector<1000xf32>
    %broadcast_in_dim3A_44 = vector.shape_cast %reduce_sum3A_43 : vector<1000xf32> to vector<1000x1xf32>
    %div3A_45 = arith.constant 1.280000e+02 : f32
    %div3A_46 = vector.broadcast %div3A_45 : f32 to vector<1000x1xf32>
    %div3A_47 = arith.divf %broadcast_in_dim3A_44, %div3A_46 : vector<1000x1xf32>
    %add3A_48 = arith.constant 9.99999974E-6 : f32
    %add3A_49 = vector.broadcast %add3A_48 : f32 to vector<1000x1xf32>
    %add3A_50 = arith.addf %div3A_47, %add3A_49 : vector<1000x1xf32>
    %rsqrt3A = math.rsqrt %add3A_50 : vector<1000x1xf32>
    %mul3A_51 = vector.broadcast %rsqrt3A : vector<1000x1xf32> to vector<1000x128xf32>
    %mul3A_52 = arith.mulf %sub3A_40, %mul3A_51 : vector<1000x128xf32>
    %get3A_53 = arith.constant 0 : index
    %get3A_54 = arith.constant 0 : index
    %get3A_55 = vector.load %arg6[%get3A_53, %get3A_54] : memref<1x128xf32, #tpu.memory_space<vmem>>, vector<1x128xf32>
    %mul3A_56 = vector.broadcast %get3A_55 : vector<1x128xf32> to vector<1000x128xf32>
    %mul3A_57 = arith.mulf %mul3A_52, %mul3A_56 : vector<1000x128xf32>
    %get3A_58 = arith.constant 0 : index
    %get3A_59 = arith.constant 0 : index
    %get3A_60 = vector.load %arg7[%get3A_58, %get3A_59] : memref<1x128xf32, #tpu.memory_space<vmem>>, vector<1x128xf32>
    %add3A_61 = vector.broadcast %get3A_60 : vector<1x128xf32> to vector<1000x128xf32>
    %add3A_62 = arith.addf %mul3A_57, %add3A_61 : vector<1000x128xf32>
    %max3A_63 = arith.constant 0.000000e+00 : f32
    %max3A_64 = vector.broadcast %max3A_63 : f32 to vector<1000x128xf32>
    %max3A_65 = arith.maximumf %add3A_62, %max3A_64 : vector<1000x128xf32>
    %reduce_sum3A_66 = arith.constant dense<0.000000e+00> : vector<128xf32>
    %reduce_sum3A_67 = vector.multi_reduction <add>, %max3A_65, %reduce_sum3A_66 [0] : vector<1000x128xf32> to vector<128xf32>
    %broadcast_in_dim3A_68 = vector.shape_cast %reduce_sum3A_67 : vector<128xf32> to vector<1x128xf32>
    %eq3A = arith.constant 0 : i32
    %eq3A_69 = arith.cmpi eq, %arg0, %eq3A : i32
    %convert_element_type3A = arith.extui %eq3A_69 : i1 to i32
    %cond3A = arith.constant 0 : i32
    %cond3A_70 = arith.cmpi ne, %convert_element_type3A, %cond3A : i32
    scf.if %cond3A_70 {
      %swap3A = arith.constant 0 : index
      %swap3A_80 = arith.constant 0 : index
      %swap3A_81 = vector.load %arg11[%swap3A, %swap3A_80] : memref<1x128xf32, #tpu.memory_space<vmem>>, vector<1x128xf32>
      tpu.vector_store %arg11[%swap3A, %swap3A_80], %broadcast_in_dim3A_68 {strides = array<i32>} : memref<1x128xf32, #tpu.memory_space<vmem>>, vector<1x128xf32>,
    } else {
    }
    %gt3A = arith.constant 0 : i32
    %gt3A_71 = arith.cmpi sgt, %arg0, %gt3A : i32
    %convert_element_type3A_72 = arith.extui %gt3A_71 : i1 to i32
    %cond3A_73 = arith.constant 0 : i32
    %cond3A_74 = arith.cmpi ne, %convert_element_type3A_72, %cond3A_73 : i32
    scf.if %cond3A_74 {
      %get3A_80 = arith.constant 0 : index
      %get3A_81 = arith.constant 0 : index
      %get3A_82 = vector.load %arg11[%get3A_80, %get3A_81] : memref<1x128xf32, #tpu.memory_space<vmem>>, vector<1x128xf32>
      %add3A_83 = arith.addf %get3A_82, %broadcast_in_dim3A_68 : vector<1x128xf32>
      %swap3A = arith.constant 0 : index
      %swap3A_84 = arith.constant 0 : index
      %swap3A_85 = vector.load %arg11[%swap3A, %swap3A_84] : memref<1x128xf32, #tpu.memory_space<vmem>>, vector<1x128xf32>
      tpu.vector_store %arg11[%swap3A, %swap3A_84], %add3A_83 {strides = array<i32>} : memref<1x128xf32, #tpu.memory_space<vmem>>, vector<1x128xf32>,
    } else {
    }
    %eq3A_75 = arith.constant 9 : i32
    %eq3A_76 = arith.cmpi eq, %arg0, %eq3A_75 : i32
    %convert_element_type3A_77 = arith.extui %eq3A_76 : i1 to i32
    %cond3A_78 = arith.constant 0 : i32
    %cond3A_79 = arith.cmpi ne, %convert_element_type3A_77, %cond3A_78 : i32
    scf.if %cond3A_79 {
      %get3A_80 = arith.constant 0 : index
      %get3A_81 = arith.constant 0 : index
      %get3A_82 = vector.load %arg11[%get3A_80, %get3A_81] : memref<1x128xf32, #tpu.memory_space<vmem>>, vector<1x128xf32>
      %mul3A_83 = arith.constant 9.99999974E-5 : f32
      %mul3A_84 = vector.broadcast %mul3A_83 : f32 to vector<1x128xf32>
      %mul3A_85 = arith.mulf %get3A_82, %mul3A_84 : vector<1x128xf32>
      %get3A_86 = arith.constant 0 : index
      %get3A_87 = arith.constant 0 : index
      %get3A_88 = vector.load %arg8[%get3A_86, %get3A_87] : memref<128x128xf32, #tpu.memory_space<vmem>>, vector<128x128xf32>
      %dot_general3A_89 = arith.constant dense<0.000000e+00> : vector<1x128xf32>
      %dot_general3A_90 = tpu.matmul %mul3A_85, %get3A_88, %dot_general3A_89 {dimension_numbers = #tpu.dot_dimension_numbers<[1], [0], [0], [1], [0, 0, 1, 1], [], []>, transpose_lhs_hint = false} : vector<1x128xf32>, vector<128x128xf32>, vector<1x128xf32> -> vector<1x128xf32>
      %get3A_91 = arith.constant 0 : index
      %get3A_92 = arith.constant 0 : index
      %get3A_93 = vector.load %arg9[%get3A_91, %get3A_92] : memref<1x128xf32, #tpu.memory_space<vmem>>, vector<1x128xf32>
      %add3A_94 = arith.addf %dot_general3A_90, %get3A_93 : vector<1x128xf32>
      %swap3A = arith.constant 0 : index
      %swap3A_95 = arith.constant 0 : index
      %swap3A_96 = vector.load %arg10[%swap3A, %swap3A_95] : memref<1x128xf32, #tpu.memory_space<vmem>>, vector<1x128xf32>
      tpu.vector_store %arg10[%swap3A, %swap3A_95], %add3A_94 {strides = array<i32>} : memref<1x128xf32, #tpu.memory_space<vmem>>, vector<1x128xf32>,
    } else {
    }
    return
  }
  func.func @transform_0(%arg0: i32) -> (i32, i32, i32) {
    %c0_i32 = arith.constant 0 : i32
    %c0_i32_0 = arith.constant 0 : i32
    %c0_i32_1 = arith.constant 0 : i32
    return %c0_i32, %arg0, %c0_i32_0 : i32, i32, i32
  }
  func.func @transform_1(%arg0: i32) -> (i32, i32) {
    %c0_i32 = arith.constant 0 : i32
    %c0_i32_0 = arith.constant 0 : i32
    return %arg0, %c0_i32 : i32, i32
  }
  func.func @transform_2(%arg0: i32) -> (i32, i32) {
    %c0_i32 = arith.constant 0 : i32
    %c0_i32_0 = arith.constant 0 : i32
    %c0_i32_1 = arith.constant 0 : i32
    return %c0_i32, %c0_i32_0 : i32, i32
  }
  func.func @transform_3(%arg0: i32) -> (i32, i32) {
    %c0_i32 = arith.constant 0 : i32
    %c0_i32_0 = arith.constant 0 : i32
    %c0_i32_1 = arith.constant 0 : i32
    return %c0_i32, %c0_i32_0 : i32, i32
  }
  func.func @transform_4(%arg0: i32) -> (i32, i32) {
    %c0_i32 = arith.constant 0 : i32
    %c0_i32_0 = arith.constant 0 : i32
    %c0_i32_1 = arith.constant 0 : i32
    return %c0_i32, %c0_i32_0 : i32, i32
  }
  func.func @transform_5(%arg0: i32) -> (i32, i32) {
    %c0_i32 = arith.constant 0 : i32
    %c0_i32_0 = arith.constant 0 : i32
    %c0_i32_1 = arith.constant 0 : i32
    return %c0_i32, %c0_i32_0 : i32, i32
  }
  func.func @transform_6(%arg0: i32) -> (i32, i32) {
    %c0_i32 = arith.constant 0 : i32
    %c0_i32_0 = arith.constant 0 : i32
    %c0_i32_1 = arith.constant 0 : i32
    return %c0_i32, %c0_i32_0 : i32, i32
  }
  func.func @transform_7(%arg0: i32) -> (i32, i32) {
    %c0_i32 = arith.constant 0 : i32
    %c0_i32_0 = arith.constant 0 : i32
    %c0_i32_1 = arith.constant 0 : i32
    return %c0_i32, %c0_i32_0 : i32, i32
  }
  func.func @transform_8(%arg0: i32) -> (i32, i32) {
    %c0_i32 = arith.constant 0 : i32
    %c0_i32_0 = arith.constant 0 : i32
    %c0_i32_1 = arith.constant 0 : i32
    return %c0_i32, %c0_i32_0 : i32, i32
  }
  func.func @transform_9(%arg0: i32) -> (i32, i32) {
    %c0_i32 = arith.constant 0 : i32
    %c0_i32_0 = arith.constant 0 : i32
    %c0_i32_1 = arith.constant 0 : i32
    return %c0_i32, %c0_i32_0 : i32, i32
  }
}

</mosaic_0001>

<sc_bundles>
// kernel: kernel.5.cloned.1.call-start
scs
__scs_entry_jumppad:
0x0: {  	(pc) =	sbr.rel $0x88, $3  }
0x1: {  	(tag) =	ssettag $0x0;
	lr =	simm.s32 $0x1  }
0x2: {  	[smem:$0x3F96] =	sst lr;
	_ =	strace $0xD0000000  }
0x3: {  	_ = 	snop  }
0x4: {  	_ = 	snop  }
0x5: {  	_ = 	snop  }
0x6: {  	_ = 	snop  }
0x7: {  	_ = 	snop  }
__scs_overlays_trampoline_lowered:
0x8: {  	[smem:$0x3FA5] =	sst s0  }
0x9: {  	[smem:$0x3FA6] =	sst s1  }
0xa: {  	[smem:$0x3FA7] =	sst s2  }
0xb: {  	[smem:$0x3FA8] =	sst s3  }
0xc: {  	[smem:$0x3FA9] =	sst s4  }
0xd: {  	[smem:$0x3FAA] =	sst s5  }
0xe: {  	[smem:$0x3FAB] =	sst s6  }
0xf: {  	[smem:$0x3FAC] =	sst s7  }
0x10: {  	[smem:$0x3FAD] =	sst s8  }
0x11: {  	[smem:$0x3FAE] =	sst s9;
	s0 =	simm.s32 @!p0 $0x0  }
0x12: {  	s1 =	sld [smem:$0x3F94];
	s0 =	simm.s32 @p0 $0x1  }
0x13: {  	[smem:$0x3FAF] =	sst s0;
	s0 =	simm.s32 @!p1 $0x0  }
0x14: {  	s2 =	sld [smem:$0x3F93];
	s0 =	simm.s32 @p1 $0x1  }
0x15: {  	[smem:$0x3FB0] =	sst s0;
	s0 =	simm.s32 @!p2 $0x0  }
0x16: {  	s3 =	sld [smem:$0x3FDB];
	s0 =	simm.s32 @p2 $0x1  }
0x17: {  	s4 =	simm.s32 $0x1BF5;
	[smem:$0x3FB2] =	sst s0  }
0x18: {  	s0 =	sld [smem:$0x3F95];
	_ =	swait.ge [sflag:s4], $0x0  }
0x19: {  	s7 =	sld [smem:$0x3F96]  }
0x1a: {  	s8 =	sadd.s32 $0xFFFFE003, lr  }
0x1b: {  	s9 =	sadd.s32 $0xFFFFFEF7, lr;
	s5 =	simm.s32 $0xFFFFFFFF;
	p2 =	slt.u32 s8, $0xFFFFF086  }
0x1c: {  	p1 =	slt.u32 s9, $0xF7A;
	s5 =	simm.s32 @!p2 $0x0  }
0x1d: {  	s5 =	simm.s32 @p1 $0x1;
	p0 =	seq.s32 s7, s2  }
0x1e: {  	s7 =	smul.u32 @!p0 $0xF7A, s2;
	p2 =	seq.s32 @!p0 s5, $0x0  }
0x1f: {  	s9 =	smul.u32 $0xF7A, s1;
	s8 =	simm.s32 @!p0 $0x1BF5;
	p2 =	por !p2, p0  }
0x20: {  	[sflag:s8] =	ssyncset.s32 @!p0 $0xFFFFF086;
	s6 =	sadd.s32 @!p0 s3, s7;
	s7 =	simm.s32 @!p0 $0x108  }
0x21: {  	s3 =	sadd.s32 s3, s9;
	s6 =	sadd.s32 @!p0 $0x88, s6;
	s7 =	simm.s32 @p2 $0x1082  }
0x22: {  	[simem:s7], [sflag:s8] =	dma.local @!p0 [hbm:s6], $0xF7A  }
0x23: {  	s9 =	sor.u32 $0xD0000000, s2;
	s6 =	simm.s32 $0x108;
	_ =	swait.ge @!p0 [sflag:s8], $0x0  }
0x24: {  	s3 =	sadd.s32 $0x88, s3;
	s6 =	simm.s32 @!p1 $0x1082;
	[sflag:s4] =	ssyncset.s32 $0xFFFFF086  }
0x25: {  	[simem:s6], [sflag:s4] =	dma.local [hbm:s3], $0xF7A  }
0x26: {  	[smem:$0x3F96] =	sst s1;
	(tag) =	ssettag s2;
	_ =	strace s9  }
0x27: {  	s1 =	sld [smem:$0x3FA6]  }
0x28: {  	s2 =	sld [smem:$0x3FA7]  }
0x29: {  	s4 =	sld [smem:$0x3FA9]  }
0x2a: {  	p0 =	seq.s32 s5, $0x0;
	s5 =	sld [smem:$0x3FAA]  }
0x2b: {  	s6 =	sld [smem:$0x3FAB]  }
0x2c: {  	s7 =	sld [smem:$0x3FAC]  }
0x2d: {  	s3 =	simm.s32 $0x108;
	s8 =	sld [smem:$0x3FAD]  }
0x2e: {  	s3 =	simm.s32 @!p0 $0x1082;
	s9 =	sld [smem:$0x3FAE]  }
0x2f: {  	lr =	sadd.s32 s0, s3;
	s0 =	sld [smem:$0x3FA5]  }
0x30: {  	s3 =	sld [smem:$0x3FA8]  }
0x31: {  	[smem:$0x3FB1] =	sst s10  }
0x32: {  	s10 =	sld [smem:$0x3FAF];
	_ =	sdelay $0x3  }
0x33: {  	p0 =	seq.s32 s10, $0x1;
	s10 =	sld [smem:$0x3FB1];
	_ =	sdelay $0x3  }
0x34: {  	[smem:$0x3FB1] =	sst s10  }
0x35: {  	s10 =	sld [smem:$0x3FB0];
	_ =	sdelay $0x3  }
0x36: {  	p1 =	seq.s32 s10, $0x1;
	s10 =	sld [smem:$0x3FB1];
	_ =	sdelay $0x3  }
0x37: {  	[smem:$0x3FB1] =	sst s10  }
0x38: {  	s10 =	sld [smem:$0x3FB2]  }
0x39: {  	_ = 	snop;
	(pc) =	sbr.ind lr, $3  }
0x3a: {  	_ = 	snop  }
0x3b: {  	_ = 	snop  }
0x3c: {  	p2 =	seq.s32 s10, $0x1;
	s10 =	sld [smem:$0x3FB1]  }
0x3d: {  	_ =	shalt  }
0x3e: {  	_ =	shalt  }
0x3f: {  	_ =	shalt  }
0x40: {  	_ =	shalt  }
0x41: {  	_ =	shalt  }
0x42: {  	_ =	shalt  }
0x43: {  	_ =	shalt  }
0x44: {  	_ =	shalt  }
0x45: {  	_ =	shalt  }
0x46: {  	_ =	shalt  }
0x47: {  	_ =	shalt  }
0x48: {  	_ =	shalt  }
0x49: {  	_ =	shalt  }
0x4a: {  	_ =	shalt  }
0x4b: {  	_ =	shalt  }
0x4c: {  	_ =	shalt  }
0x4d: {  	_ =	shalt  }
0x4e: {  	_ =	shalt  }
0x4f: {  	_ =	shalt  }
0x50: {  	_ =	shalt  }
0x51: {  	_ =	shalt  }
0x52: {  	_ =	shalt  }
0x53: {  	_ =	shalt  }
0x54: {  	_ =	shalt  }
0x55: {  	_ =	shalt  }
0x56: {  	_ =	shalt  }
0x57: {  	_ =	shalt  }
0x58: {  	_ =	shalt  }
0x59: {  	_ =	shalt  }
0x5a: {  	_ =	shalt  }
0x5b: {  	_ =	shalt  }
0x5c: {  	_ =	shalt  }
0x5d: {  	_ =	shalt  }
0x5e: {  	_ =	shalt  }
0x5f: {  	_ =	shalt  }
0x60: {  	_ =	shalt  }
0x61: {  	_ =	shalt  }
0x62: {  	_ =	shalt  }
0x63: {  	_ =	shalt  }
0x64: {  	_ =	shalt  }
0x65: {  	_ =	shalt  }
0x66: {  	_ =	shalt  }
0x67: {  	_ =	shalt  }
0x68: {  	_ =	shalt  }
0x69: {  	_ =	shalt  }
0x6a: {  	_ =	shalt  }
0x6b: {  	_ =	shalt  }
0x6c: {  	_ =	shalt  }
0x6d: {  	_ =	shalt  }
0x6e: {  	_ =	shalt  }
0x6f: {  	_ =	shalt  }
0x70: {  	_ =	shalt  }
0x71: {  	_ =	shalt  }
0x72: {  	_ =	shalt  }
0x73: {  	_ =	shalt  }
0x74: {  	_ =	shalt  }
0x75: {  	_ =	shalt  }
0x76: {  	_ =	shalt  }
0x77: {  	_ =	shalt  }
0x78: {  	_ =	shalt  }
0x79: {  	_ =	shalt  }
0x7a: {  	_ =	shalt  }
0x7b: {  	_ =	shalt  }
0x7c: {  	_ =	shalt  }
0x7d: {  	_ =	shalt  }
0x7e: {  	_ =	shalt  }
0x7f: {  	_ =	shalt  }
0x80: {  	_ =	shalt  }
0x81: {  	_ =	shalt  }
0x82: {  	_ =	shalt  }
0x83: {  	_ =	shalt  }
0x84: {  	_ =	shalt  }
0x85: {  	_ =	shalt  }
0x86: {  	_ =	shalt  }
0x87: {  	_ =	shalt  }
.Lfunc_end0:
.L_simem_size_0:
called_computation_lowered:
.L_overlay_start_0:
0x88: {  	s2 =	sld [smem:$0x3FD9]  }
0x89: {  	s3 =	sld [smem:$0x3FFE];
	_ =	sdelay $0x1  }
0x8a: {  	s1 =	srdreg.scid  }
0x8b: {  	s0 =	sand.u32 $0x1, s1  }
0x8c: {  	s16 =	sshll.u32 s0, $0xA;
	s2 =	sadd.s32 s3, s2  }
0x8d: {  	s2 =	sadd.s32 s2, s16  }
0x8e: {  	[smem:$0x3FBD] =	sst s2  }
0x8f: {  	_ = 	snop  }
0x90: {  	(tm) =	ssettm $0x1  }
0x91: {  	s17 =	sld [smem:$0x3FFB];
	_ =	sdelay $0x3  }
0x92: {  	_ =	strace s17  }
0x93: {  	s2 =	sld [smem:$0x3FFC];
	_ =	sdelay $0x3  }
0x94: {  	_ =	strace s2  }
0x95: {  	s2 =	sld [smem:$0x3FFD];
	_ =	sdelay $0x3  }
0x96: {  	_ =	strace s2  }
0x97: {  	_ =	strace $0x8FFFFFFF  }
0x98: {  	s18 =	sld [smem:$0x3FDB];
	_ =	sdelay $0x1  }
0x99: {  	s19 =	simm.s32 $_scs_section_size  }
0x9a: {  	s4 =	simm.s32 $_size__tile_overlayer_lowered;
	s5 =	simm.s32 $_tile_overlayer_lowered  }
0x9b: {  	s22 =	simm.s32 $0x1BFF;
	s21 =	sshll.u32 s5, $0x1;
	s2 =	sadd.s32 s19, s18  }
0x9c: {  	s6 =	simm.s32 $0x0;
	s20 =	sshll.u32 s4, $0x1;
	s4 =	sadd.s32 s21, s2  }
0x9d: {  	[timem:s6], [sflag:s22] =	dma.local [hbm:s4], s20  }
0x9e: {  	_ =	swait.ge [sflag:s22], s20  }
0x9f: {  	s3 =	ssub.s32 $0x0, s20;
	[sflag:s22] =	ssyncset.done $0x0  }
0xa0: {  	[sflag:s22] =	ssyncadd.s32 s3;
	_ =	sdelay $0x1  }
0xa1: {  	s23 =	simm.s32 $0x1B8B  }
0xa2: {  	_ =	swait.ge [sflag:s23], $0x1  }
0xa3: {  	[sflag:s23] =	ssyncset.done $0x0  }
0xa4: {  	s25 =	simm.s32 $0x1B8E;
	s24 =	sld [smem:$0x3FFE];
	[sflag:s23] =	ssyncadd.s32 $0xFFFFFFFF  }
0xa5: {  	s26 =	simm.s32 $execute0_lowered;
	[smem:$0x3FD2] =	sst s25  }
0xa6: {  	s4 =	sshll.u32 s26, $0x1;
	_ =	strace $0x80000046;
	[dreg:$0x1] =	wrdreg $0xFFFFFFFF  }
0xa7: {  	s28 =	simm.s32 $_size_execute0_lowered;
	s2 =	sadd.s32 s2, s4;
	[dreg:$0x0] =	wrdreg $0x0  }
0xa8: {  	s4 =	sshll.u32 s28, $0x1;
	[dreg:$0x2] =	wrdreg s2  }
0xa9: {  	[dreg:$0x3] =	wrdreg s4  }
0xaa: {  	[dreg:$0x4] =	wrdreg $0xC0  }
0xab: {  	_ =	task [dreg:s6], $0x5FFFF  }
0xac: {  	[dreg:$0x1] =	wrdreg $0xFFFFFFFF  }
0xad: {  	[dreg:$0x0] =	wrdreg $0x60  }
0xae: {  	[dreg:$0x2] =	wrdreg s24  }
0xaf: {  	[dreg:$0x3] =	wrdreg $0x7B000  }
0xb0: {  	[dreg:$0x4] =	wrdreg $0x9  }
0xb1: {  	_ =	task.clear_ibuf [dreg:s6], $0x5FFFF;
	_ =	strace $0x90000046  }
0xb2: {  	s29 =	simm.s32 $0x9;
	_ =	strace $0x80000048  }
0xb3: {  	_ =	swait.ge [sflag:s29], $0x1  }
0xb4: {  	[sflag:s29] =	ssyncadd.s32 $0xFFFFFFFF  }
0xb5: {  	_ =	strace $0x90000048  }
0xb6: {  	_ =	sfence  }
0xb7: {  	s30 =	sld [smem:$0x0];
	_ =	sdelay $0x2  }
0xb8: {  	s31 =	sshll.u32 s1, $0xD;
	s1 =	sshrl.u32 s1, $0x2  }
0xb9: {  	s3 =	sand.u32 $0x4000, s31;
	s1 =	sadd.s32 s1, s30  }
0xba: {  	s0 =	sor.u32 s3, s0;
	s1 =	sshll.u32 s1, $0x11  }
0xbb: {  	s0 =	sor.u32 s1, s0  }
0xbc: {  	s0 =	sadd.s32 $0x8F2B, s0  }
0xbd: {  	[sflag:s0] =	ssyncadd.remote.s32 $0x1  }
0xbe: {  	_ =	sfence.sel $0xFFFF  }
0xbf: {  	[dreg:$0x0] =	wrdreg $0xFFFFFFFF;
	(pc) =	sbr.abs _section_cstart, $3  }
0xc0: {  	[dreg:$0x1] =	wrdreg $0xFFFFFFFF  }
0xc1: {  	_ =	task.clear_ibuf [dreg:s6], $0x2FFFF;
	_ =	strace $0x9FFFFFFF  }
0xc2: {  	(tm) =	ssettm $0x7FFFFFFF  }
0xc3: {  	_ =	shalt  }
tec
execute0_lowered:
.L_overlay_start_1:
0x0: {  	(tag) =	ssettag $0x1  }
0x1: {  	s5 =	rddreg [dreg:$0x0]  }
0x2: {  	s1 =	rddreg [dreg:$0x1]  }
0x3: {  	s0 =	rddreg [dreg:$0x2];
	s2 =	simm.s32 $0x0  }
0x4: {  	s4 =	srdreg.scid;
	s3 =	stileid.u32;
	s10 =	simm.s32 $0x33  }
0x5: {  	s24 =	simm.s32 $0x80;
	s25 =	simm.s32 $0x1;
	s26 =	simm.s32 $0x0  }
0x6: {  	[smem:$0x7FF] =	sst s2;
	s13 =	sadd.s32 $0xDC00, s5;
	s11 =	sand.u32 $0x1, s4  }
0x7: {  	s14 =	sadd.s32 $0x1000, s5;
	s15 =	smul.u32 $0x16800, s3;
	s4 =	sadd.s32 $0x1A800, s5  }
0x8: {  	s19 =	sadd.s32 $0x46800, s5;
	s22 =	smul.u32 $0x3300, s3;
	_ =	strace $0x80000047  }
0x9: {  	s6 =	ssub.s32 $0x2, s11;
	s12 =	smul.u32 $0x33000, s11;
	p0 =	seq.s32 s11, $0x0  }
0xa: {  	s23 =	smul.u32 $0x168000, s11;
	s31 =	sshrl.u32 s6, $0x1;
	s5 =	sadd.s32 s15, s1  }
0xb: {  	s16 =	sadd.s32 $0x4800, s15;
	s17 =	sadd.s32 $0x9000, s15;
	s18 =	sadd.s32 $0xD800, s15  }
0xc: {  	s21 =	sadd.s32 $0x12000, s15;
	s10 =	simm.s32 @!p0 $0x5;
	s20 =	ssub.s32 s6, s31  }
0xd: {  	s6 =	sadd.s32 s16, s1;
	s7 =	sadd.s32 s17, s1;
	s8 =	sadd.s32 s18, s1  }
0xe: {  	s9 =	sadd.s32 s21, s1;
	s12 =	sadd.s32 s22, s12;
	s15 =	sadd.s32 s15, s23  }
0xf: {  	s16 =	sadd.s32 s23, s16;
	s17 =	sadd.s32 s23, s17;
	s18 =	sadd.s32 s23, s18  }
0x10: {  	s21 =	sadd.s32 s23, s21;
	s23 =	simm.s32 $0x1980;
	s22 =	sshrl.u32 s12, $0x3  }
0x11: {  	s15 =	sshrl.u32 s15, $0x3;
	s16 =	sshrl.u32 s16, $0x3;
	s17 =	sshrl.u32 s17, $0x3  }
0x12: {  	s18 =	sshrl.u32 s18, $0x3;
	s21 =	sshrl.u32 s21, $0x3;
	s20 =	smax.u32 s20, $0x1  }
0x13: {  	s11 =	sadd.s32 s13, s22;
	s12 =	sadd.s32 s14, s22;
	s22 =	sadd.s32 $0x330, s22  }
0x14: {  	s15 =	sadd.s32 s19, s15;
	s16 =	sadd.s32 s19, s16;
	s17 =	sadd.s32 s19, s17  }
0x15: {  	s18 =	sadd.s32 s19, s18;
	s19 =	sadd.s32 s19, s21;
	s21 =	simm.s32 $0x3300  }
0x16: {  	v0 =	vimm.f32 $0.0e+00;
	s13 =	sadd.s32 s13, s22;
	s14 =	sadd.s32 s14, s22;
	s22 =	simm.s32 $0x2  }
.LBB2_1:
0x17: {  	s28 =	simm.s32 $0x0;
	s29 =	simm.s32 $0x240  }
.LBB2_2:
0x18: {  	p0 =	sne.s32 s29, $0x11DC0;
	[tilespmem:s28+$0x3380] =	vst v0  }
0x19: {  	[tilespmem:s28+$0x3300] =	vst v0  }
0x1a: {  	[tilespmem:s28+$0x3310] =	vst v0  }
0x1b: {  	[tilespmem:s28+$0x3320] =	vst v0  }
.Ltmp0:
0x1c: {  	[tilespmem:s28+$0x3330] =	vst v0;
	(pc) =	sbr.rel @p0 .LBB2_2-.Ltmp0, $4  }
0x1d: {  	[tilespmem:s28+$0x3340] =	vst v0  }
0x1e: {  	[tilespmem:s28+$0x3350] =	vst v0  }
0x1f: {  	[tilespmem:s28+$0x3360] =	vst v0  }
0x20: {  	[tilespmem:s28+$0x3370] =	vst v0;
	s28 =	sshra.s32 s29, $0x2;
	s29 =	sadd.s32 $0x240, s29  }
0x21: {  	[tilespmem:s28+$0x3380] =	vst v0  }
0x22: {  	[tilespmem:s28+$0x3300] =	vst v0  }
0x23: {  	[tilespmem:s28+$0x3310] =	vst v0  }
0x24: {  	[tilespmem:s28+$0x3320] =	vst v0  }
0x25: {  	[tilespmem:s28+$0x3330] =	vst v0  }
0x26: {  	[tilespmem:s28+$0x3340] =	vst v0  }
0x27: {  	[tilespmem:s28+$0x3350] =	vst v0  }
0x28: {  	[tilespmem:s28+$0x3360] =	vst v0  }
0x29: {  	[tilespmem:s28+$0x3370] =	vst v0  }
0x2a: {  	[spmem:s5] =	stream.linear.scatter [tilespmem:s21], [sflag:$0x2], $0x4800, $0x38;
	[tilespmem:$0x1E300] =	vst v63  }
0x2b: {  	_ =	swait.ge [sflag:s22], $0x4800  }
0x2c: {  	[sflag:s22] =	ssyncset.done $0x0  }
0x2d: {  	[sflag:s22] =	ssyncadd.s32 $0xFFFFB800  }
0x2e: {  	[spmem:s6] =	stream.linear.scatter [tilespmem:s21], [sflag:$0x2], $0x4800, $0x38;
	[tilespmem:$0x1E300] =	vst v63  }
0x2f: {  	_ =	swait.ge [sflag:s22], $0x4800  }
0x30: {  	[sflag:s22] =	ssyncset.done $0x0  }
0x31: {  	[sflag:s22] =	ssyncadd.s32 $0xFFFFB800  }
0x32: {  	[spmem:s7] =	stream.linear.scatter [tilespmem:s21], [sflag:$0x2], $0x4800, $0x38;
	[tilespmem:$0x1E300] =	vst v63  }
0x33: {  	_ =	swait.ge [sflag:s22], $0x4800  }
0x34: {  	[sflag:s22] =	ssyncset.done $0x0  }
0x35: {  	[sflag:s22] =	ssyncadd.s32 $0xFFFFB800  }
0x36: {  	[spmem:s8] =	stream.linear.scatter [tilespmem:s21], [sflag:$0x2], $0x4800, $0x38;
	[tilespmem:$0x1E300] =	vst v63  }
0x37: {  	_ =	swait.ge [sflag:s22], $0x4800  }
0x38: {  	[sflag:s22] =	ssyncset.done $0x0  }
0x39: {  	[sflag:s22] =	ssyncadd.s32 $0xFFFFB800  }
0x3a: {  	[spmem:s9] =	stream.linear.scatter [tilespmem:s21], [sflag:$0x2], $0x4800, $0x38;
	[tilespmem:$0x1E300] =	vst v63  }
0x3b: {  	_ =	swait.ge [sflag:s22], $0x4800  }
0x3c: {  	[sflag:s22] =	ssyncset.done $0x0  }
0x3d: {  	[sflag:s22] =	ssyncadd.s32 $0xFFFFB800  }
0x3e: {  	s28 =	simm.s32 $0x0;
	[bflag:$0x0] =	sbarrier.arrive $0xFFFF  }
0x3f: {  	[tilespmem:s28], [sflag:$0x2] =	stream.linear.gather [hbm4b:s11+s28], $0x1980, $0x38;
	[tilespmem:$0x1E300] =	vst v63  }
0x40: {  	_ =	swait.ge [sflag:s22], $0x1980  }
0x41: {  	[sflag:s22] =	ssyncset.done $0x0  }
0x42: {  	[sflag:s22] =	ssyncadd.s32 $0xFFFFE680  }
0x43: {  	[tilespmem:s23], [sflag:$0x2] =	stream.linear.gather [hbm4b:s12+s28], $0x1980, $0x38;
	[tilespmem:$0x1E300] =	vst v63  }
0x44: {  	_ =	swait.ge [sflag:s22], $0x1980  }
0x45: {  	[sflag:s22] =	ssyncset.done $0x0  }
0x46: {  	s28 =	simm.s32 $0x0;
	[sflag:s22] =	ssyncadd.s32 $0xFFFFE680  }
0x47: {  	[tilespmem:s21], [sflag:$0x1] =	stream.indirect.gather [hbm4b:s4+s24], $0x90, s28, s24, $0xb8;
	[tilespmem:$0x1E300] =	vst v63  }
0x48: {  	_ =	swait.ge [sflag:s25], $0x4800  }
0x49: {  	[sflag:s25] =	ssyncset.done $0x0  }
0x4a: {  	s28 =	simm.s32 $0x1980;
	[sflag:s25] =	ssyncadd.s32 $0xFFFFB800  }
0x4b: {  	[spmem:s1] =	stream.indirect.scatter.add.f32 [tilespmem:s21], [sflag:$0x2], $0x90, s28, s24, $0xb8;
	[tilespmem:$0x1E300] =	vst v63  }
0x4c: {  	_ =	swait.ge [sflag:s22], $0x4800  }
0x4d: {  	s29 =	simm.s32 $0x400;
	s28 =	simm.s32 $0x200;
	[sflag:s22] =	ssyncset.done $0x0  }
.LBB2_4:
0x4e: {  	s30 =	sshra.s32 s28, $0x2  }
0x4f: {  	[sflag:s22] =	ssyncadd.s32 $0xFFFFB800;
	s28 =	smov.u32 s29;
	s31 =	sadd.s32 $0x200, s29  }
0x50: {  	[tilespmem:s21], [sflag:$0x1] =	stream.indirect.gather [hbm4b:s4+s24], $0x90, s30, s24, $0xb8;
	[tilespmem:$0x1E300] =	vst v63  }
0x51: {  	p0 =	sne.s32 s29, $0x6400;
	_ =	swait.ge [sflag:s25], $0x4800  }
.Ltmp1:
0x52: {  	[sflag:s25] =	ssyncset.done $0x0;
	(pc) =	sbr.rel @p0 .LBB2_4-.Ltmp1, $4  }
0x53: {  	s29 =	sadd.s32 $0x1980, s30;
	[sflag:s25] =	ssyncadd.s32 $0xFFFFB800  }
0x54: {  	[spmem:s1] =	stream.indirect.scatter.add.f32 [tilespmem:s21], [sflag:$0x2], $0x90, s29, s24, $0xb8;
	[tilespmem:$0x1E300] =	vst v63  }
0x55: {  	_ =	swait.ge [sflag:s22], $0x4800  }
0x56: {  	s29 =	smov.u32 s31;
	[sflag:s22] =	ssyncset.done $0x0  }
0x57: {  	s28 =	sshra.s32 s28, $0x2;
	[sflag:s22] =	ssyncadd.s32 $0xFFFFB800  }
0x58: {  	[tilespmem:s21], [sflag:$0x1] =	stream.indirect.gather [hbm4b:s4+s24], $0x90, s28, s24, $0xb8;
	[tilespmem:$0x1E300] =	vst v63  }
0x59: {  	_ =	swait.ge [sflag:s25], $0x4800  }
0x5a: {  	[sflag:s25] =	ssyncset.done $0x0  }
0x5b: {  	s28 =	sadd.s32 $0x1980, s28;
	[sflag:s25] =	ssyncadd.s32 $0xFFFFB800  }
0x5c: {  	[spmem:s1] =	stream.indirect.scatter.add.f32 [tilespmem:s21], [sflag:$0x2], $0x90, s28, s24, $0xb8;
	[tilespmem:$0x1E300] =	vst v63  }
0x5d: {  	_ =	swait.ge [sflag:s22], $0x4800  }
0x5e: {  	[sflag:s22] =	ssyncset.done $0x0  }
0x5f: {  	s28 =	simm.s32 $0x0;
	[sflag:s22] =	ssyncadd.s32 $0xFFFFB800  }
0x60: {  	[tilespmem:s28], [sflag:$0x2] =	stream.linear.gather [hbm4b:s13+s28], $0x1980, $0x38;
	[tilespmem:$0x1E300] =	vst v63  }
0x61: {  	_ =	swait.ge [sflag:s22], $0x1980  }
0x62: {  	[sflag:s22] =	ssyncset.done $0x0  }
0x63: {  	s29 =	simm.s32 $0x1980;
	[sflag:s22] =	ssyncadd.s32 $0xFFFFE680  }
0x64: {  	[tilespmem:s29], [sflag:$0x2] =	stream.linear.gather [hbm4b:s14+s28], $0x1980, $0x38;
	[tilespmem:$0x1E300] =	vst v63  }
0x65: {  	_ =	swait.ge [sflag:s22], $0x1980  }
0x66: {  	[sflag:s22] =	ssyncset.done $0x0  }
0x67: {  	[sflag:s22] =	ssyncadd.s32 $0xFFFFE680  }
0x68: {  	[tilespmem:s21], [sflag:$0x1] =	stream.indirect.gather [hbm4b:s4+s24], $0x90, s28, s24, $0xb8;
	[tilespmem:$0x1E300] =	vst v63  }
0x69: {  	p0 =	sne.s32 s10, $0x1;
	_ =	swait.ge [sflag:s25], $0x4800  }
.Ltmp2:
0x6a: {  	[sflag:s25] =	ssyncset.done $0x0;
	(pc) =	sbr.rel @!p0 .LBB2_7-.Ltmp2, $4  }
0x6b: {  	[sflag:s25] =	ssyncadd.s32 $0xFFFFB800  }
0x6c: {  	[spmem:s1] =	stream.indirect.scatter.add.f32 [tilespmem:s21], [sflag:$0x2], $0x90, s29, s24, $0xb8;
	[tilespmem:$0x1E300] =	vst v63  }
0x6d: {  	_ =	swait.ge [sflag:s22], $0x4800  }
0x6e: {  	s30 =	sadd.s32 $0xFFFFFFFF, s10;
	[sflag:s22] =	ssyncset.done $0x0  }
.LBB2_6:
0x6f: {  	[sflag:s22] =	ssyncadd.s32 $0xFFFFB800;
	s28 =	sadd.s32 $0x80, s28;
	s29 =	sadd.s32 $0x80, s29  }
0x70: {  	[tilespmem:s21], [sflag:$0x1] =	stream.indirect.gather [hbm4b:s4+s24], $0x90, s28, s24, $0xb8;
	[tilespmem:$0x1E300] =	vst v63  }
0x71: {  	p0 =	sne.s32 s30, $0x1;
	s30 =	sadd.s32 $0xFFFFFFFF, s30;
	_ =	swait.ge [sflag:s25], $0x4800  }
.Ltmp3:
0x72: {  	[sflag:s25] =	ssyncset.done $0x0;
	(pc) =	sbr.rel @p0 .LBB2_6-.Ltmp3, $4  }
0x73: {  	[sflag:s25] =	ssyncadd.s32 $0xFFFFB800  }
0x74: {  	[spmem:s1] =	stream.indirect.scatter.add.f32 [tilespmem:s21], [sflag:$0x2], $0x90, s29, s24, $0xb8;
	[tilespmem:$0x1E300] =	vst v63  }
0x75: {  	_ =	swait.ge [sflag:s22], $0x4800  }
0x76: {  	[sflag:s22] =	ssyncset.done $0x0  }
.LBB2_7:
0x77: {  	[sflag:s22] =	ssyncadd.s32 $0xFFFFB800  }
0x78: {  	[bflag:$0x0] =	sbarrier.arrive $0xFFFF  }
0x79: {  	[tilespmem:s21], [sflag:$0x2] =	stream.linear.gather [spmem:s5], $0x4800, $0x38;
	[tilespmem:$0x1E300] =	vst v63  }
0x7a: {  	_ =	swait.ge [sflag:s22], $0x4800  }
0x7b: {  	[sflag:s22] =	ssyncset.done $0x0  }
0x7c: {  	[sflag:s22] =	ssyncadd.s32 $0xFFFFB800  }
0x7d: {  	[hbm4b:s15+s2] =	stream.linear.scatter [tilespmem:s21], [sflag:$0x2], $0x4800, $0x38;
	[tilespmem:$0x1E300] =	vst v63  }
0x7e: {  	_ =	swait.ge [sflag:s22], $0x4800  }
0x7f: {  	[sflag:s22] =	ssyncset.done $0x0  }
0x80: {  	[sflag:s22] =	ssyncadd.s32 $0xFFFFB800  }
0x81: {  	[tilespmem:s21], [sflag:$0x2] =	stream.linear.gather [spmem:s6], $0x4800, $0x38;
	[tilespmem:$0x1E300] =	vst v63  }
0x82: {  	_ =	swait.ge [sflag:s22], $0x4800  }
0x83: {  	[sflag:s22] =	ssyncset.done $0x0  }
0x84: {  	[sflag:s22] =	ssyncadd.s32 $0xFFFFB800  }
0x85: {  	[hbm4b:s16+s2] =	stream.linear.scatter [tilespmem:s21], [sflag:$0x2], $0x4800, $0x38;
	[tilespmem:$0x1E300] =	vst v63  }
0x86: {  	_ =	swait.ge [sflag:s22], $0x4800  }
0x87: {  	[sflag:s22] =	ssyncset.done $0x0  }
0x88: {  	[sflag:s22] =	ssyncadd.s32 $0xFFFFB800  }
0x89: {  	[tilespmem:s21], [sflag:$0x2] =	stream.linear.gather [spmem:s7], $0x4800, $0x38;
	[tilespmem:$0x1E300] =	vst v63  }
0x8a: {  	_ =	swait.ge [sflag:s22], $0x4800  }
0x8b: {  	[sflag:s22] =	ssyncset.done $0x0  }
0x8c: {  	[sflag:s22] =	ssyncadd.s32 $0xFFFFB800  }
0x8d: {  	[hbm4b:s17+s2] =	stream.linear.scatter [tilespmem:s21], [sflag:$0x2], $0x4800, $0x38;
	[tilespmem:$0x1E300] =	vst v63  }
0x8e: {  	_ =	swait.ge [sflag:s22], $0x4800  }
0x8f: {  	[sflag:s22] =	ssyncset.done $0x0  }
0x90: {  	[sflag:s22] =	ssyncadd.s32 $0xFFFFB800  }
0x91: {  	[tilespmem:s21], [sflag:$0x2] =	stream.linear.gather [spmem:s8], $0x4800, $0x38;
	[tilespmem:$0x1E300] =	vst v63  }
0x92: {  	_ =	swait.ge [sflag:s22], $0x4800  }
0x93: {  	[sflag:s22] =	ssyncset.done $0x0  }
0x94: {  	[sflag:s22] =	ssyncadd.s32 $0xFFFFB800  }
0x95: {  	[hbm4b:s18+s2] =	stream.linear.scatter [tilespmem:s21], [sflag:$0x2], $0x4800, $0x38;
	[tilespmem:$0x1E300] =	vst v63  }
0x96: {  	_ =	swait.ge [sflag:s22], $0x4800  }
0x97: {  	[sflag:s22] =	ssyncset.done $0x0  }
0x98: {  	[sflag:s22] =	ssyncadd.s32 $0xFFFFB800  }
0x99: {  	[tilespmem:s21], [sflag:$0x2] =	stream.linear.gather [spmem:s9], $0x4800, $0x38;
	[tilespmem:$0x1E300] =	vst v63  }
0x9a: {  	s26 =	sadd.s32 $0x1, s26;
	_ =	swait.ge [sflag:s22], $0x4800  }
0x9b: {  	p0 =	sne.s32 s26, s20;
	[sflag:s22] =	ssyncset.done $0x0  }
.Ltmp4:
0x9c: {  	[sflag:s22] =	ssyncadd.s32 $0xFFFFB800;
	(pc) =	sbr.rel @p0 .LBB2_1-.Ltmp4, $4  }
0x9d: {  	[hbm4b:s19+s2] =	stream.linear.scatter [tilespmem:s21], [sflag:$0x2], $0x4800, $0x38;
	[tilespmem:$0x1E300] =	vst v63  }
0x9e: {  	_ =	swait.ge [sflag:s22], $0x4800  }
0x9f: {  	[sflag:s22] =	ssyncset.done $0x0  }
0xa0: {  	[sflag:s22] =	ssyncadd.s32 $0xFFFFB800  }
0xa1: {  	_ =	sfence.sel $0x180000  }
0xa2: {  	[bflag:$0x0] =	sbarrier.arrive $0xFFFF  }
0xa3: {  	p0 =	sne.s32 s3, $0x0;
	_ =	strace $0x90000047  }
0xa4: {  	s0 =	sadd.s32 @!p0 $0x100000, s0;
	[bflag:$0x2] =	sbarrier.arrive $0xFFFF  }
0xa5: {  	[sflag:s0] =	ssyncadd.tile.s32 @!p0 $0x1;
	_ =	shalt  }
.Lfunc_end2:
_tile_overlayer_lowered:
.L_overlay_start_2:
0xa6: {  	(tag) =	ssettag $0x2  }
0xa7: {  	s0 =	rddreg [dreg:$0x0];
	s2 =	stileid.u32  }
0xa8: {  	s1 =	rddreg [dreg:$0x1];
	p0 =	sne.s32 s2, $0x0  }
0xa9: {  	s3 =	rddreg [dreg:$0x2];
	[bflag:$0x3] =	sbarrier.arrive $0xFFFF;
	s2 =	simm.s32 @!p0 $0x1C02  }
0xaa: {  	[timem:s3], [sflag:s2] =	dma.local @!p0 [hbm:s0], s1  }
0xab: {  	s0 =	simm.s32 @!p0 $0x2  }
0xac: {  	_ =	swait.ge @!p0 [sflag:s0], s1  }
0xad: {  	s1 =	ssub.s32 @!p0 $0x0, s1;
	[sflag:s0] =	ssyncset.done @!p0 $0x0  }
0xae: {  	[sflag:s0] =	ssyncadd.s32 @!p0 s1  }
0xaf: {  	[bflag:$0x3] =	sbarrier.arrive $0xFFFF  }
0xb0: {  	_ =	shalt  }

</sc_bundles>
